<compile_context>
chip_gen: v7x
topology: tpu7x:2x2x1
jax: 0.10.2.dev20260603
libtpu: 0.0.44.dev20260713+nightly
codegen_flags: <defaults>
</compile_context>

<pallas_src>
import functools

import jax
import jax.numpy as jnp
from jax import lax
from jax.experimental import pallas as pl
from jax.experimental.pallas import tpu as pltpu
from jax.experimental.pallas import tpu_sc as plsc

N = 10000
E = 320000
D = 128
BN_EPS = 1e-5

NC = 2
NS = 16
NW = NC * NS
CH = 128
T_CH = 80
H_CH = T_CH // 2
M_CH = E // CH
M_CHP = (NW - 1) * T_CH + H_CH
NROWS = 10240
RPT = NROWS // NS

_mesh = plsc.VectorSubcoreMesh(
    core_axis_name="c", subcore_axis_name="s", num_cores=NC, num_subcores=NS)


def _wid():
    return lax.axis_index("s") * NC + lax.axis_index("c")


def _deg_body(col2d, tail_c, ones_hbm, zeros_hbm, degp, idx_v, ones_v, sem, deg_sh):
    c = lax.axis_index("c")
    s = lax.axis_index("s")
    w = _wid()
    last = NW - 1
    pltpu.sync_copy(zeros_hbm, deg_sh.at[pl.ds(s * RPT, RPT)])
    pltpu.sync_copy(ones_hbm, ones_v)
    plsc.subcore_barrier()

    for h in range(2):
        base = w * T_CH + h * H_CH
        if h == 0:
            @pl.when(w < last)
            def _():
                pltpu.sync_copy(col2d.at[pl.ds(base, H_CH)], idx_v)

            @pl.when(w == last)
            def _():
                pltpu.sync_copy(tail_c, idx_v)

            nj = H_CH
        else:
            @pl.when(w < last)
            def _():
                pltpu.sync_copy(col2d.at[pl.ds(base, H_CH)], idx_v)

            nj = jnp.where(w == last, 0, H_CH)

        def step(j, carry):
            pltpu.async_copy(ones_v, deg_sh.at[idx_v.at[j]], sem, add=True)
            return carry

        lax.fori_loop(0, nj, step, 0)

        def drain(j, carry):
            pltpu.make_async_copy(ones_v, deg_sh.at[idx_v.at[0]], sem).wait()
            return carry

        lax.fori_loop(0, nj, drain, 0)
    plsc.subcore_barrier()
    pltpu.sync_copy(deg_sh.at[pl.ds(s * RPT, RPT)],
                    degp.at[pl.ds(c * NROWS + s * RPT, RPT)])


_deg_kernel = functools.partial(
    pl.kernel,
    out_type=jax.ShapeDtypeStruct((NC * NROWS,), jnp.float32),
    mesh=_mesh,
    scratch_types=[
        pltpu.VMEM((H_CH, CH), jnp.int32),
        pltpu.VMEM((CH,), jnp.float32),
        pltpu.SemaphoreType.DMA,
        pltpu.VMEM_SHARED((NROWS,), jnp.float32),
    ],
)(_deg_body)


def _seg_body(hs_hbm, row2d, col2d, tail_r, tail_c, zeros_hbm, accp,
              ridx_v, cidx_v, rows_a, rows_b, sem_a, sem_b, acc_sh):
    c = lax.axis_index("c")
    s = lax.axis_index("s")
    w = _wid()
    pltpu.sync_copy(zeros_hbm, acc_sh.at[pl.ds(s * RPT, RPT)])
    plsc.subcore_barrier()
    last = NW - 1

    for h in range(T_CH // H_CH):
        base = w * T_CH + h * H_CH

        if h == 0:
            @pl.when(w < last)
            def _():
                pltpu.sync_copy(row2d.at[pl.ds(base, H_CH)], ridx_v)
                pltpu.sync_copy(col2d.at[pl.ds(base, H_CH)], cidx_v)

            @pl.when(w == last)
            def _():
                pltpu.sync_copy(tail_r, ridx_v)
                pltpu.sync_copy(tail_c, cidx_v)

            npair = H_CH // 2
        else:
            @pl.when(w < last)
            def _():
                pltpu.sync_copy(row2d.at[pl.ds(base, H_CH)], ridx_v)
                pltpu.sync_copy(col2d.at[pl.ds(base, H_CH)], cidx_v)

            npair = jnp.where(w == last, 0, H_CH // 2)

        @pl.when(npair > 0)
        def _():
            pltpu.async_copy(hs_hbm.at[ridx_v.at[0]], rows_a, sem_a)

        def step(jj, carry):
            j = 2 * jj
            pltpu.async_copy(hs_hbm.at[ridx_v.at[j + 1]], rows_b, sem_b)
            pltpu.make_async_copy(hs_hbm.at[ridx_v.at[j]], rows_a, sem_a).wait()
            pltpu.sync_copy(rows_a, acc_sh.at[cidx_v.at[j]], add=True)

            @pl.when(jj < npair - 1)
            def _():
                pltpu.async_copy(hs_hbm.at[ridx_v.at[j + 2]], rows_a, sem_a)

            pltpu.make_async_copy(hs_hbm.at[ridx_v.at[j + 1]], rows_b,
                                  sem_b).wait()
            pltpu.sync_copy(rows_b, acc_sh.at[cidx_v.at[j + 1]], add=True)
            return carry

        lax.fori_loop(0, npair, step, 0)
    plsc.subcore_barrier()
    pltpu.sync_copy(acc_sh.at[pl.ds(s * RPT, RPT)],
                    accp.at[c, pl.ds(s * RPT, RPT)])


_seg_kernel = functools.partial(
    pl.kernel,
    out_type=jax.ShapeDtypeStruct((NC, NROWS, D), jnp.float32),
    mesh=_mesh,
    scratch_types=[
        pltpu.VMEM((H_CH, CH), jnp.int32),
        pltpu.VMEM((H_CH, CH), jnp.int32),
        pltpu.VMEM((CH, D), jnp.float32),
        pltpu.VMEM((CH, D), jnp.float32),
        pltpu.SemaphoreType.DMA,
        pltpu.SemaphoreType.DMA,
        pltpu.VMEM_SHARED((NROWS, D), jnp.float32),
    ],
)(_seg_body)


BR = 1000


def _mm_body(x_ref, w_ref, degp_ref, hs_ref):
    h = jnp.dot(x_ref[...], w_ref[...], preferred_element_type=jnp.float32)
    d = degp_ref[0] + degp_ref[1]
    dis = lax.rsqrt(d + 1.0)
    hs_ref[...] = h * dis


def _d1_body(accp_ref, hs_ref, degp_ref, b_ref, outp_ref, stats_ref, s1, s2):
    i = pl.program_id(0)
    acc = accp_ref[0] + accp_ref[1]
    d = degp_ref[0] + degp_ref[1]
    dis = lax.rsqrt(d + 1.0)
    o = dis * (acc + hs_ref[...]) + b_ref[...]
    outp_ref[...] = o

    @pl.when(i == 0)
    def _():
        s1[...] = jnp.zeros_like(s1)
        s2[...] = jnp.zeros_like(s2)

    s1[...] += jnp.sum(o, axis=0, keepdims=True)
    s2[...] += jnp.sum(o * o, axis=0, keepdims=True)

    @pl.when(i == pl.num_programs(0) - 1)
    def _():
        stats_ref[0:1] = s1[...]
        stats_ref[1:2] = s2[...]


def _d2_body(outp_ref, stats_ref, bnw_ref, bnb_ref, out_ref):
    n = jnp.float32(N)
    mean = stats_ref[0:1] / n
    var = stats_ref[1:2] / n - mean * mean
    inv = lax.rsqrt(var + BN_EPS)
    out_ref[...] = ((outp_ref[...] - mean) * inv) * bnw_ref[...] + bnb_ref[...]


def kernel(x, edge_index, W, b, bn_weight, bn_bias):
    row = edge_index[0].astype(jnp.int32)
    col = edge_index[1].astype(jnp.int32)
    row2d = row.reshape(M_CH, CH)
    col2d = col.reshape(M_CH, CH)
    npadc = H_CH - (M_CH - (NW - 1) * T_CH)
    dummy_r = jnp.arange(npadc * CH, dtype=jnp.int32) * 3 % N
    dummy_c = N + (jnp.arange(npadc * CH, dtype=jnp.int32) % (NROWS - N))
    tail_r = jnp.concatenate(
        [row2d[(NW - 1) * T_CH:], dummy_r.reshape(npadc, CH)])
    tail_c = jnp.concatenate(
        [col2d[(NW - 1) * T_CH:], dummy_c.reshape(npadc, CH)])

    ones_hbm = jnp.ones((CH,), jnp.float32)
    zeros_deg = jnp.zeros((RPT,), jnp.float32)
    zeros_acc = jnp.zeros((RPT, D), jnp.float32)

    degp = _deg_kernel(col2d, tail_c, ones_hbm, zeros_deg).reshape(NC, NROWS, 1)

    hs = pl.pallas_call(
        _mm_body,
        grid=(N // BR,),
        in_specs=[
            pl.BlockSpec((BR, D), lambda i: (i, 0)),
            pl.BlockSpec((D, D), lambda i: (0, 0)),
            pl.BlockSpec((NC, BR, 1), lambda i: (0, i, 0)),
        ],
        out_specs=pl.BlockSpec((BR, D), lambda i: (i, 0)),
        out_shape=jax.ShapeDtypeStruct((N, D), jnp.float32),
    )(x, W, degp)

    accp = _seg_kernel(hs, row2d, col2d, tail_r, tail_c, zeros_acc)

    outp, stats = pl.pallas_call(
        _d1_body,
        grid=(N // BR,),
        in_specs=[
            pl.BlockSpec((NC, BR, D), lambda i: (0, i, 0)),
            pl.BlockSpec((BR, D), lambda i: (i, 0)),
            pl.BlockSpec((NC, BR, 1), lambda i: (0, i, 0)),
            pl.BlockSpec((1, D), lambda i: (0, 0)),
        ],
        out_specs=[
            pl.BlockSpec((BR, D), lambda i: (i, 0)),
            pl.BlockSpec((2, D), lambda i: (0, 0)),
        ],
        out_shape=[
            jax.ShapeDtypeStruct((N, D), jnp.float32),
            jax.ShapeDtypeStruct((2, D), jnp.float32),
        ],
        scratch_shapes=[
            pltpu.VMEM((1, D), jnp.float32),
            pltpu.VMEM((1, D), jnp.float32),
        ],
    )(accp, hs, degp, b.reshape(1, D))

    out = pl.pallas_call(
        _d2_body,
        grid=(N // BR,),
        in_specs=[
            pl.BlockSpec((BR, D), lambda i: (i, 0)),
            pl.BlockSpec((2, D), lambda i: (0, 0)),
            pl.BlockSpec((1, D), lambda i: (0, 0)),
            pl.BlockSpec((1, D), lambda i: (0, 0)),
        ],
        out_specs=pl.BlockSpec((BR, D), lambda i: (i, 0)),
        out_shape=jax.ShapeDtypeStruct((N, D), jnp.float32),
    )(outp, stats, bn_weight.reshape(1, D), bn_bias.reshape(1, D))
    return out

# --- scband reference (transcript-rebuilt; emitter-appended) ---
"""Pipeline reference for scband-down-sample-58428735095310 (READ-ONLY COPY).

The authoritative reference and input builder live on the scoring server;
editing this copy changes nothing except your own understanding.
"""

import jax, jax.numpy as jnp
import numpy as np

N_NODES = 10000
N_EDGES = 320000
D_IN = 128
D_OUT = 128
BN_EPS = 1e-5


def setup_inputs(seed: int = 0) -> dict:
    key = jax.random.key(seed)
    k_x, k_e, k_w = jax.random.split(key, 3)
    x = jax.random.normal(k_x, (N_NODES, D_IN), dtype=jnp.float32)
    edge_index = jax.random.randint(k_e, (2, N_EDGES), 0, N_NODES, dtype=jnp.int64)
    # GCNConv linear weight (glorot-ish) and bias
    W = jax.random.normal(k_w, (D_IN, D_OUT), dtype=jnp.float32) * (1.0 / np.sqrt(D_IN))
    b = jnp.zeros((D_OUT,), dtype=jnp.float32)
    # BatchNorm1d affine params
    bn_weight = jnp.ones((D_OUT,), dtype=jnp.float32)
    bn_bias = jnp.zeros((D_OUT,), dtype=jnp.float32)
    return {"x": x, "edge_index": edge_index, "W": W, "b": b, "bn_weight": bn_weight, "bn_bias": bn_bias}


def reference(x, edge_index, W, b, bn_weight, bn_bias):
    N = x.shape[0]
    # --- GCNConv with self-loops and symmetric normalization ---
    loops = jnp.arange(N, dtype=edge_index.dtype)
    row = jnp.concatenate([edge_index[0], loops])  # source
    col = jnp.concatenate([edge_index[1], loops])  # destination
    deg = jnp.zeros((N,), dtype=jnp.float32).at[col].add(1.0)
    deg_inv_sqrt = jnp.where(deg > 0, jax.lax.rsqrt(jnp.maximum(deg, 1e-12)), 0.0)
    norm = deg_inv_sqrt[row] * deg_inv_sqrt[col]
    h = x @ W                                  # dense transform
    msg = jnp.take(h, row, axis=0) * norm[:, None]   # gather + scale
    out = jnp.zeros((N, h.shape[1]), dtype=h.dtype).at[col].add(msg)  # scatter-add
    out = out + b
    # --- BatchNorm1d (training mode: batch statistics, biased variance) ---
    mean = jnp.mean(out, axis=0)
    var = jnp.mean((out - mean) ** 2, axis=0)
    out = (out - mean) * jax.lax.rsqrt(var + BN_EPS) * bn_weight + bn_bias
    return out


if False:  # reference __main__ guard neutralized (emitter)
    inp = setup_inputs()
    y = reference(**inp)
    print(y.shape, y.dtype)

if __name__ == "__main__":
    import jax
    _d = setup_inputs()
    print(jax.jit(kernel)(*tuple(_d.values())))

</pallas_src>

<mosaic_0001>
#map = affine_map<(d0, d1) -> (0, 0)>
#map1 = affine_map<(d0, d1) -> (0)>
module attributes {stable_mosaic.version = 14 : i64} {
  func.func @_deg_body(%arg0: i32, %arg1: i32, %arg2: memref<2500x128xi32, #tpu.memory_space<hbm>>, %arg3: memref<40x128xi32, #tpu.memory_space<hbm>>, %arg4: memref<128xf32, #tpu.memory_space<hbm>>, %arg5: memref<640xf32, #tpu.memory_space<hbm>>, %arg6: memref<20480xf32, #tpu.memory_space<hbm>>, %arg7: memref<40x128xi32, #tpu.memory_space<vmem>>, %arg8: memref<128xf32, #tpu.memory_space<vmem>>, %arg9: memref<!tpu.dma_semaphore, #tpu.memory_space<semaphore_mem>>, %arg10: memref<10240xf32, #tpu.memory_space<vmem_shared>>) attributes {dimension_semantics = [#tpu.dimension_semantics<core_parallel>, #tpu.dimension_semantics<subcore_parallel>], iteration_bounds = array<i64: 2, 16>, scalar_prefetch = 0 : i64, scratch_operands = 4 : i64, tpu.core_type = #tpu.core_type<sc_vector_subcore>, window_params = [{transform_indices = #map}, {transform_indices = #map}, {transform_indices = #map1}, {transform_indices = #map1}, {transform_indices = #map1}]} {
    %mul3A = arith.constant 2 : i32
    %mul3A_0 = arith.muli %arg1, %mul3A : i32
    %add3A = arith.addi %mul3A_0, %arg0 : i32
    %mul3A_1 = arith.constant 640 : i32
    %mul3A_2 = arith.muli %arg1, %mul3A_1 : i32
    "tpu.region"() ({
      %run_scoped3A = tpu.sem_alloc : memref<!tpu.dma_semaphore, #tpu.memory_space<semaphore_mem>>
      %dma_start3A = tpu.memref_slice %arg10[%mul3A_2] : memref<10240xf32, #tpu.memory_space<vmem_shared>> -> memref<640xf32, #tpu.memory_space<vmem_shared>>
      tpu.enqueue_dma source(%arg5 : memref<640xf32, #tpu.memory_space<hbm>>) target(%dma_start3A : memref<640xf32, #tpu.memory_space<vmem_shared>>) target_semaphore(%run_scoped3A : memref<!tpu.dma_semaphore, #tpu.memory_space<semaphore_mem>>)
      %dma_wait3A = tpu.memref_slice %arg10[%mul3A_2] : memref<10240xf32, #tpu.memory_space<vmem_shared>> -> memref<640xf32, #tpu.memory_space<vmem_shared>>
      tpu.wait_dma2 semaphore(%run_scoped3A : memref<!tpu.dma_semaphore, #tpu.memory_space<semaphore_mem>>) src(%arg5 : memref<640xf32, #tpu.memory_space<hbm>>) dst(%dma_wait3A : memref<640xf32, #tpu.memory_space<vmem_shared>>)
      tpu.yield
    }) : () -> ()
    "tpu.region"() ({
      %run_scoped3A = tpu.sem_alloc : memref<!tpu.dma_semaphore, #tpu.memory_space<semaphore_mem>>
      tpu.enqueue_dma source(%arg4 : memref<128xf32, #tpu.memory_space<hbm>>) target(%arg8 : memref<128xf32, #tpu.memory_space<vmem>>) target_semaphore(%run_scoped3A : memref<!tpu.dma_semaphore, #tpu.memory_space<semaphore_mem>>)
      tpu.wait_dma2 semaphore(%run_scoped3A : memref<!tpu.dma_semaphore, #tpu.memory_space<semaphore_mem>>) src(%arg4 : memref<128xf32, #tpu.memory_space<hbm>>) dst(%arg8 : memref<128xf32, #tpu.memory_space<vmem>>)
      tpu.yield
    }) : () -> ()
    %barrier3A = arith.constant 0 : index
    tpu.barrier barrier_id(%barrier3A)
    %mul3A_3 = arith.constant 80 : i32
    %mul3A_4 = arith.muli %add3A, %mul3A_3 : i32
    %add3A_5 = arith.constant 0 : i32
    %add3A_6 = arith.addi %mul3A_4, %add3A_5 : i32
    %lt3A = arith.constant 31 : i32
    %lt3A_7 = arith.cmpi slt, %add3A, %lt3A : i32
    %convert_element_type3A = arith.extui %lt3A_7 : i1 to i32
    %cond3A = arith.constant 0 : i32
    %cond3A_8 = arith.cmpi ne, %convert_element_type3A, %cond3A : i32
    scf.if %cond3A_8 {
      "tpu.region"() ({
        %run_scoped3A = tpu.sem_alloc : memref<!tpu.dma_semaphore, #tpu.memory_space<semaphore_mem>>
        %dma_start3A = arith.constant 0 : i32
        %dma_start3A_63 = tpu.memref_slice %arg2[%add3A_6, %dma_start3A] : memref<2500x128xi32, #tpu.memory_space<hbm>> -> memref<40x128xi32, #tpu.memory_space<hbm>>
        %dma_start3A_64 = arith.constant 0 : i32
        %dma_start3A_65 = tpu.memref_slice %arg2[%add3A_6, %dma_start3A_64] : memref<2500x128xi32, #tpu.memory_space<hbm>> -> memref<40x128xi32, #tpu.memory_space<hbm>>
        tpu.enqueue_dma source(%dma_start3A_65 : memref<40x128xi32, #tpu.memory_space<hbm>>) target(%arg7 : memref<40x128xi32, #tpu.memory_space<vmem>>) target_semaphore(%run_scoped3A : memref<!tpu.dma_semaphore, #tpu.memory_space<semaphore_mem>>)
        %dma_wait3A = arith.constant 0 : i32
        %dma_wait3A_66 = tpu.memref_slice %arg2[%add3A_6, %dma_wait3A] : memref<2500x128xi32, #tpu.memory_space<hbm>> -> memref<40x128xi32, #tpu.memory_space<hbm>>
        %dma_wait3A_67 = arith.constant 0 : i32
        %dma_wait3A_68 = tpu.memref_slice %arg2[%add3A_6, %dma_wait3A_67] : memref<2500x128xi32, #tpu.memory_space<hbm>> -> memref<40x128xi32, #tpu.memory_space<hbm>>
        tpu.wait_dma2 semaphore(%run_scoped3A : memref<!tpu.dma_semaphore, #tpu.memory_space<semaphore_mem>>) src(%dma_wait3A_68 : memref<40x128xi32, #tpu.memory_space<hbm>>) dst(%arg7 : memref<40x128xi32, #tpu.memory_space<vmem>>)
        tpu.yield
      }) : () -> ()
    } else {
    }
    %eq3A = arith.constant 31 : i32
    %eq3A_9 = arith.cmpi eq, %add3A, %eq3A : i32
    %convert_element_type3A_10 = arith.extui %eq3A_9 : i1 to i32
    %cond3A_11 = arith.constant 0 : i32
    %cond3A_12 = arith.cmpi ne, %convert_element_type3A_10, %cond3A_11 : i32
    scf.if %cond3A_12 {
      "tpu.region"() ({
        %run_scoped3A = tpu.sem_alloc : memref<!tpu.dma_semaphore, #tpu.memory_space<semaphore_mem>>
        tpu.enqueue_dma source(%arg3 : memref<40x128xi32, #tpu.memory_space<hbm>>) target(%arg7 : memref<40x128xi32, #tpu.memory_space<vmem>>) target_semaphore(%run_scoped3A : memref<!tpu.dma_semaphore, #tpu.memory_space<semaphore_mem>>)
        tpu.wait_dma2 semaphore(%run_scoped3A : memref<!tpu.dma_semaphore, #tpu.memory_space<semaphore_mem>>) src(%arg3 : memref<40x128xi32, #tpu.memory_space<hbm>>) dst(%arg7 : memref<40x128xi32, #tpu.memory_space<vmem>>)
        tpu.yield
      }) : () -> ()
    } else {
    }
    %scan3A = arith.constant 0 : i32
    %scan3A_13 = arith.constant 0 : i32
    %scan3A_14 = arith.constant 40 : i32
    %scan3A_15 = arith.addi %scan3A_13, %scan3A_14 : i32
    %scan3A_16 = arith.constant 1 : i32
    scf.for %scan3A_63 = %scan3A_13 to %scan3A_15 step %scan3A_16  : i32 {
      %dma_start3A = arith.constant 0 : i32
      %dma_start3A_64 = tpu.memref_slice %arg7[%scan3A_63, %dma_start3A] : memref<40x128xi32, #tpu.memory_space<vmem>> -> memref<1x128xi32, #tpu.memory_space<vmem>>
      %dma_start3A_65 = tpu.memref_squeeze %dma_start3A_64 : memref<1x128xi32, #tpu.memory_space<vmem>> -> memref<128xi32, #tpu.memory_space<vmem>>
      %dma_start3A_66 = arith.constant 0 : i32
      %dma_start3A_67 = tpu.memref_slice %arg10[%dma_start3A_66] : memref<10240xf32, #tpu.memory_space<vmem_shared>> -> memref<10240xf32, #tpu.memory_space<vmem_shared>>
      tpu.enqueue_indirect_dma source(%arg8 : memref<128xf32, #tpu.memory_space<vmem>>) target(%dma_start3A_67 : memref<10240xf32, #tpu.memory_space<vmem_shared>>) offsets(%dma_start3A_65 : memref<128xi32, #tpu.memory_space<vmem>>) semaphore(%arg9 : memref<!tpu.dma_semaphore, #tpu.memory_space<semaphore_mem>>) {add = true}
    }
    %scan3A_17 = arith.constant 40 : i32
    %scan3A_18 = arith.constant 0 : i32
    %scan3A_19 = arith.constant 0 : i32
    %scan3A_20 = arith.constant 40 : i32
    %scan3A_21 = arith.addi %scan3A_19, %scan3A_20 : i32
    %scan3A_22 = arith.constant 1 : i32
    scf.for %scan3A_63 = %scan3A_19 to %scan3A_21 step %scan3A_22  : i32 {
      %dma_wait3A = arith.constant 0 : i32
      %dma_wait3A_64 = arith.constant 0 : i32
      %dma_wait3A_65 = tpu.memref_slice %arg7[%dma_wait3A, %dma_wait3A_64] : memref<40x128xi32, #tpu.memory_space<vmem>> -> memref<1x128xi32, #tpu.memory_space<vmem>>
      %dma_wait3A_66 = tpu.memref_squeeze %dma_wait3A_65 : memref<1x128xi32, #tpu.memory_space<vmem>> -> memref<128xi32, #tpu.memory_space<vmem>>
      %dma_wait3A_67 = arith.constant 0 : i32
      %dma_wait3A_68 = tpu.memref_slice %arg10[%dma_wait3A_67] : memref<10240xf32, #tpu.memory_space<vmem_shared>> -> memref<10240xf32, #tpu.memory_space<vmem_shared>>
      tpu.wait_indirect_dma semaphore(%arg9 : memref<!tpu.dma_semaphore, #tpu.memory_space<semaphore_mem>>) src(%arg8 : memref<128xf32, #tpu.memory_space<vmem>>) dst(%dma_wait3A_68 : memref<10240xf32, #tpu.memory_space<vmem_shared>>)
    }
    %scan3A_23 = arith.constant 40 : i32
    %mul3A_24 = arith.constant 80 : i32
    %mul3A_25 = arith.muli %add3A, %mul3A_24 : i32
    %add3A_26 = arith.constant 40 : i32
    %add3A_27 = arith.addi %mul3A_25, %add3A_26 : i32
    %lt3A_28 = arith.constant 31 : i32
    %lt3A_29 = arith.cmpi slt, %add3A, %lt3A_28 : i32
    %convert_element_type3A_30 = arith.extui %lt3A_29 : i1 to i32
    %cond3A_31 = arith.constant 0 : i32
    %cond3A_32 = arith.cmpi ne, %convert_element_type3A_30, %cond3A_31 : i32
    scf.if %cond3A_32 {
      "tpu.region"() ({
        %run_scoped3A = tpu.sem_alloc : memref<!tpu.dma_semaphore, #tpu.memory_space<semaphore_mem>>
        %dma_start3A = arith.constant 0 : i32
        %dma_start3A_63 = tpu.memref_slice %arg2[%add3A_27, %dma_start3A] : memref<2500x128xi32, #tpu.memory_space<hbm>> -> memref<40x128xi32, #tpu.memory_space<hbm>>
        %dma_start3A_64 = arith.constant 0 : i32
        %dma_start3A_65 = tpu.memref_slice %arg2[%add3A_27, %dma_start3A_64] : memref<2500x128xi32, #tpu.memory_space<hbm>> -> memref<40x128xi32, #tpu.memory_space<hbm>>
        tpu.enqueue_dma source(%dma_start3A_65 : memref<40x128xi32, #tpu.memory_space<hbm>>) target(%arg7 : memref<40x128xi32, #tpu.memory_space<vmem>>) target_semaphore(%run_scoped3A : memref<!tpu.dma_semaphore, #tpu.memory_space<semaphore_mem>>)
        %dma_wait3A = arith.constant 0 : i32
        %dma_wait3A_66 = tpu.memref_slice %arg2[%add3A_27, %dma_wait3A] : memref<2500x128xi32, #tpu.memory_space<hbm>> -> memref<40x128xi32, #tpu.memory_space<hbm>>
        %dma_wait3A_67 = arith.constant 0 : i32
        %dma_wait3A_68 = tpu.memref_slice %arg2[%add3A_27, %dma_wait3A_67] : memref<2500x128xi32, #tpu.memory_space<hbm>> -> memref<40x128xi32, #tpu.memory_space<hbm>>
        tpu.wait_dma2 semaphore(%run_scoped3A : memref<!tpu.dma_semaphore, #tpu.memory_space<semaphore_mem>>) src(%dma_wait3A_68 : memref<40x128xi32, #tpu.memory_space<hbm>>) dst(%arg7 : memref<40x128xi32, #tpu.memory_space<vmem>>)
        tpu.yield
      }) : () -> ()
    } else {
    }
    %eq3A_33 = arith.constant 31 : i32
    %eq3A_34 = arith.cmpi eq, %add3A, %eq3A_33 : i32
    %jit3A = arith.constant 0 : i32
    %jit3A_35 = arith.constant 40 : i32
    %select_n3A = arith.select %eq3A_34, %jit3A, %jit3A_35 : i32
    %while3A = arith.constant 0 : i32
    %while3A_36 = arith.constant 0 : i32
    %while3A_37 = arith.subi %select_n3A, %while3A_36 : i32
    %while3A_38 = arith.addi %while3A_36, %while3A_37 : i32
    %while3A_39 = arith.constant 1 : i32
    %while3A_40 = arith.divsi %while3A_37, %while3A_39 : i32
    %while3A_41 = arith.muli %while3A_40, %while3A_39 : i32
    %while3A_42 = arith.addi %while3A_36, %while3A_41 : i32
    %while3A_43 = arith.constant 1 : i32
    scf.for %while3A_63 = %while3A_36 to %while3A_42 step %while3A_43  : i32 {
      %dma_start3A = arith.constant 0 : i32
      %dma_start3A_64 = tpu.memref_slice %arg7[%while3A_63, %dma_start3A] : memref<40x128xi32, #tpu.memory_space<vmem>> -> memref<1x128xi32, #tpu.memory_space<vmem>>
      %dma_start3A_65 = tpu.memref_squeeze %dma_start3A_64 : memref<1x128xi32, #tpu.memory_space<vmem>> -> memref<128xi32, #tpu.memory_space<vmem>>
      %dma_start3A_66 = arith.constant 0 : i32
      %dma_start3A_67 = tpu.memref_slice %arg10[%dma_start3A_66] : memref<10240xf32, #tpu.memory_space<vmem_shared>> -> memref<10240xf32, #tpu.memory_space<vmem_shared>>
      tpu.enqueue_indirect_dma source(%arg8 : memref<128xf32, #tpu.memory_space<vmem>>) target(%dma_start3A_67 : memref<10240xf32, #tpu.memory_space<vmem_shared>>) offsets(%dma_start3A_65 : memref<128xi32, #tpu.memory_space<vmem>>) semaphore(%arg9 : memref<!tpu.dma_semaphore, #tpu.memory_space<semaphore_mem>>) {add = true}
    }
    %while3A_44 = arith.constant 1 : i32
    scf.for %while3A_63 = %while3A_42 to %while3A_38 step %while3A_44  : i32 {
      %dma_start3A = arith.constant 0 : i32
      %dma_start3A_64 = tpu.memref_slice %arg7[%while3A_63, %dma_start3A] : memref<40x128xi32, #tpu.memory_space<vmem>> -> memref<1x128xi32, #tpu.memory_space<vmem>>
      %dma_start3A_65 = tpu.memref_squeeze %dma_start3A_64 : memref<1x128xi32, #tpu.memory_space<vmem>> -> memref<128xi32, #tpu.memory_space<vmem>>
      %dma_start3A_66 = arith.constant 0 : i32
      %dma_start3A_67 = tpu.memref_slice %arg10[%dma_start3A_66] : memref<10240xf32, #tpu.memory_space<vmem_shared>> -> memref<10240xf32, #tpu.memory_space<vmem_shared>>
      tpu.enqueue_indirect_dma source(%arg8 : memref<128xf32, #tpu.memory_space<vmem>>) target(%dma_start3A_67 : memref<10240xf32, #tpu.memory_space<vmem_shared>>) offsets(%dma_start3A_65 : memref<128xi32, #tpu.memory_space<vmem>>) semaphore(%arg9 : memref<!tpu.dma_semaphore, #tpu.memory_space<semaphore_mem>>) {add = true}
    }
    %while3A_45 = arith.constant 0 : i32
    %while3A_46 = arith.constant 0 : i32
    %while3A_47 = arith.subi %select_n3A, %while3A_46 : i32
    %while3A_48 = arith.addi %while3A_46, %while3A_47 : i32
    %while3A_49 = arith.constant 1 : i32
    %while3A_50 = arith.divsi %while3A_47, %while3A_49 : i32
    %while3A_51 = arith.muli %while3A_50, %while3A_49 : i32
    %while3A_52 = arith.addi %while3A_46, %while3A_51 : i32
    %while3A_53 = arith.constant 1 : i32
    scf.for %while3A_63 = %while3A_46 to %while3A_52 step %while3A_53  : i32 {
      %dma_wait3A = arith.constant 0 : i32
      %dma_wait3A_64 = arith.constant 0 : i32
      %dma_wait3A_65 = tpu.memref_slice %arg7[%dma_wait3A, %dma_wait3A_64] : memref<40x128xi32, #tpu.memory_space<vmem>> -> memref<1x128xi32, #tpu.memory_space<vmem>>
      %dma_wait3A_66 = tpu.memref_squeeze %dma_wait3A_65 : memref<1x128xi32, #tpu.memory_space<vmem>> -> memref<128xi32, #tpu.memory_space<vmem>>
      %dma_wait3A_67 = arith.constant 0 : i32
      %dma_wait3A_68 = tpu.memref_slice %arg10[%dma_wait3A_67] : memref<10240xf32, #tpu.memory_space<vmem_shared>> -> memref<10240xf32, #tpu.memory_space<vmem_shared>>
      tpu.wait_indirect_dma semaphore(%arg9 : memref<!tpu.dma_semaphore, #tpu.memory_space<semaphore_mem>>) src(%arg8 : memref<128xf32, #tpu.memory_space<vmem>>) dst(%dma_wait3A_68 : memref<10240xf32, #tpu.memory_space<vmem_shared>>)
    }
    %while3A_54 = arith.constant 1 : i32
    scf.for %while3A_63 = %while3A_52 to %while3A_48 step %while3A_54  : i32 {
      %dma_wait3A = arith.constant 0 : i32
      %dma_wait3A_64 = arith.constant 0 : i32
      %dma_wait3A_65 = tpu.memref_slice %arg7[%dma_wait3A, %dma_wait3A_64] : memref<40x128xi32, #tpu.memory_space<vmem>> -> memref<1x128xi32, #tpu.memory_space<vmem>>
      %dma_wait3A_66 = tpu.memref_squeeze %dma_wait3A_65 : memref<1x128xi32, #tpu.memory_space<vmem>> -> memref<128xi32, #tpu.memory_space<vmem>>
      %dma_wait3A_67 = arith.constant 0 : i32
      %dma_wait3A_68 = tpu.memref_slice %arg10[%dma_wait3A_67] : memref<10240xf32, #tpu.memory_space<vmem_shared>> -> memref<10240xf32, #tpu.memory_space<vmem_shared>>
      tpu.wait_indirect_dma semaphore(%arg9 : memref<!tpu.dma_semaphore, #tpu.memory_space<semaphore_mem>>) src(%arg8 : memref<128xf32, #tpu.memory_space<vmem>>) dst(%dma_wait3A_68 : memref<10240xf32, #tpu.memory_space<vmem_shared>>)
    }
    %barrier3A_55 = arith.constant 0 : index
    tpu.barrier barrier_id(%barrier3A_55)
    %mul3A_56 = arith.constant 640 : i32
    %mul3A_57 = arith.muli %arg1, %mul3A_56 : i32
    %mul3A_58 = arith.constant 10240 : i32
    %mul3A_59 = arith.muli %arg0, %mul3A_58 : i32
    %mul3A_60 = arith.constant 640 : i32
    %mul3A_61 = arith.muli %arg1, %mul3A_60 : i32
    %add3A_62 = arith.addi %mul3A_59, %mul3A_61 : i32
    "tpu.region"() ({
      %run_scoped3A = tpu.sem_alloc : memref<!tpu.dma_semaphore, #tpu.memory_space<semaphore_mem>>
      %dma_start3A = tpu.memref_slice %arg6[%add3A_62] : memref<20480xf32, #tpu.memory_space<hbm>> -> memref<640xf32, #tpu.memory_space<hbm>>
      %dma_start3A_63 = tpu.memref_slice %arg10[%mul3A_57] : memref<10240xf32, #tpu.memory_space<vmem_shared>> -> memref<640xf32, #tpu.memory_space<vmem_shared>>
      tpu.enqueue_dma source(%dma_start3A_63 : memref<640xf32, #tpu.memory_space<vmem_shared>>) target(%dma_start3A : memref<640xf32, #tpu.memory_space<hbm>>) target_semaphore(%run_scoped3A : memref<!tpu.dma_semaphore, #tpu.memory_space<semaphore_mem>>)
      %dma_wait3A = tpu.memref_slice %arg6[%add3A_62] : memref<20480xf32, #tpu.memory_space<hbm>> -> memref<640xf32, #tpu.memory_space<hbm>>
      %dma_wait3A_64 = tpu.memref_slice %arg10[%mul3A_57] : memref<10240xf32, #tpu.memory_space<vmem_shared>> -> memref<640xf32, #tpu.memory_space<vmem_shared>>
      tpu.wait_dma2 semaphore(%run_scoped3A : memref<!tpu.dma_semaphore, #tpu.memory_space<semaphore_mem>>) src(%dma_wait3A_64 : memref<640xf32, #tpu.memory_space<vmem_shared>>) dst(%dma_wait3A : memref<640xf32, #tpu.memory_space<hbm>>)
      tpu.yield
    }) : () -> ()
    return
  }
}

#map = affine_map<(d0, d1) -> (0, 0)>
#map1 = affine_map<(d0, d1) -> (0, 0, 0)>
module attributes {stable_mosaic.version = 14 : i64} {
  func.func @_seg_body(%arg0: i32, %arg1: i32, %arg2: memref<10000x128xf32, #tpu.memory_space<hbm>>, %arg3: memref<2500x128xi32, #tpu.memory_space<hbm>>, %arg4: memref<2500x128xi32, #tpu.memory_space<hbm>>, %arg5: memref<40x128xi32, #tpu.memory_space<hbm>>, %arg6: memref<40x128xi32, #tpu.memory_space<hbm>>, %arg7: memref<640x128xf32, #tpu.memory_space<hbm>>, %arg8: memref<2x10240x128xf32, #tpu.memory_space<hbm>>, %arg9: memref<40x128xi32, #tpu.memory_space<vmem>>, %arg10: memref<40x128xi32, #tpu.memory_space<vmem>>, %arg11: memref<128x128xf32, #tpu.memory_space<vmem>>, %arg12: memref<128x128xf32, #tpu.memory_space<vmem>>, %arg13: memref<!tpu.dma_semaphore, #tpu.memory_space<semaphore_mem>>, %arg14: memref<!tpu.dma_semaphore, #tpu.memory_space<semaphore_mem>>, %arg15: memref<10240x128xf32, #tpu.memory_space<vmem_shared>>) attributes {dimension_semantics = [#tpu.dimension_semantics<core_parallel>, #tpu.dimension_semantics<subcore_parallel>], iteration_bounds = array<i64: 2, 16>, scalar_prefetch = 0 : i64, scratch_operands = 7 : i64, tpu.core_type = #tpu.core_type<sc_vector_subcore>, window_params = [{transform_indices = #map}, {transform_indices = #map}, {transform_indices = #map}, {transform_indices = #map}, {transform_indices = #map}, {transform_indices = #map}, {transform_indices = #map1}]} {
    %mul3A = arith.constant 2 : i32
    %mul3A_0 = arith.muli %arg1, %mul3A : i32
    %add3A = arith.addi %mul3A_0, %arg0 : i32
    %mul3A_1 = arith.constant 640 : i32
    %mul3A_2 = arith.muli %arg1, %mul3A_1 : i32
    "tpu.region"() ({
      %run_scoped3A = tpu.sem_alloc : memref<!tpu.dma_semaphore, #tpu.memory_space<semaphore_mem>>
      %dma_start3A_54 = arith.constant 0 : i32
      %dma_start3A_55 = tpu.memref_slice %arg15[%mul3A_2, %dma_start3A_54] : memref<10240x128xf32, #tpu.memory_space<vmem_shared>> -> memref<640x128xf32, #tpu.memory_space<vmem_shared>>
      tpu.enqueue_dma source(%arg7 : memref<640x128xf32, #tpu.memory_space<hbm>>) target(%dma_start3A_55 : memref<640x128xf32, #tpu.memory_space<vmem_shared>>) target_semaphore(%run_scoped3A : memref<!tpu.dma_semaphore, #tpu.memory_space<semaphore_mem>>)
      %dma_wait3A = arith.constant 0 : i32
      %dma_wait3A_56 = tpu.memref_slice %arg15[%mul3A_2, %dma_wait3A] : memref<10240x128xf32, #tpu.memory_space<vmem_shared>> -> memref<640x128xf32, #tpu.memory_space<vmem_shared>>
      tpu.wait_dma2 semaphore(%run_scoped3A : memref<!tpu.dma_semaphore, #tpu.memory_space<semaphore_mem>>) src(%arg7 : memref<640x128xf32, #tpu.memory_space<hbm>>) dst(%dma_wait3A_56 : memref<640x128xf32, #tpu.memory_space<vmem_shared>>)
      tpu.yield
    }) : () -> ()
    %barrier3A = arith.constant 0 : index
    tpu.barrier barrier_id(%barrier3A)
    %mul3A_3 = arith.constant 80 : i32
    %mul3A_4 = arith.muli %add3A, %mul3A_3 : i32
    %add3A_5 = arith.constant 0 : i32
    %add3A_6 = arith.addi %mul3A_4, %add3A_5 : i32
    %lt3A = arith.constant 31 : i32
    %lt3A_7 = arith.cmpi slt, %add3A, %lt3A : i32
    %convert_element_type3A = arith.extui %lt3A_7 : i1 to i32
    %cond3A = arith.constant 0 : i32
    %cond3A_8 = arith.cmpi ne, %convert_element_type3A, %cond3A : i32
    scf.if %cond3A_8 {
      "tpu.region"() ({
        %run_scoped3A = tpu.sem_alloc : memref<!tpu.dma_semaphore, #tpu.memory_space<semaphore_mem>>
        %dma_start3A_54 = arith.constant 0 : i32
        %dma_start3A_55 = tpu.memref_slice %arg3[%add3A_6, %dma_start3A_54] : memref<2500x128xi32, #tpu.memory_space<hbm>> -> memref<40x128xi32, #tpu.memory_space<hbm>>
        %dma_start3A_56 = arith.constant 0 : i32
        %dma_start3A_57 = tpu.memref_slice %arg3[%add3A_6, %dma_start3A_56] : memref<2500x128xi32, #tpu.memory_space<hbm>> -> memref<40x128xi32, #tpu.memory_space<hbm>>
        tpu.enqueue_dma source(%dma_start3A_57 : memref<40x128xi32, #tpu.memory_space<hbm>>) target(%arg9 : memref<40x128xi32, #tpu.memory_space<vmem>>) target_semaphore(%run_scoped3A : memref<!tpu.dma_semaphore, #tpu.memory_space<semaphore_mem>>)
        %dma_wait3A = arith.constant 0 : i32
        %dma_wait3A_58 = tpu.memref_slice %arg3[%add3A_6, %dma_wait3A] : memref<2500x128xi32, #tpu.memory_space<hbm>> -> memref<40x128xi32, #tpu.memory_space<hbm>>
        %dma_wait3A_59 = arith.constant 0 : i32
        %dma_wait3A_60 = tpu.memref_slice %arg3[%add3A_6, %dma_wait3A_59] : memref<2500x128xi32, #tpu.memory_space<hbm>> -> memref<40x128xi32, #tpu.memory_space<hbm>>
        tpu.wait_dma2 semaphore(%run_scoped3A : memref<!tpu.dma_semaphore, #tpu.memory_space<semaphore_mem>>) src(%dma_wait3A_60 : memref<40x128xi32, #tpu.memory_space<hbm>>) dst(%arg9 : memref<40x128xi32, #tpu.memory_space<vmem>>)
        tpu.yield
      }) : () -> ()
      "tpu.region"() ({
        %run_scoped3A = tpu.sem_alloc : memref<!tpu.dma_semaphore, #tpu.memory_space<semaphore_mem>>
        %dma_start3A_54 = arith.constant 0 : i32
        %dma_start3A_55 = tpu.memref_slice %arg4[%add3A_6, %dma_start3A_54] : memref<2500x128xi32, #tpu.memory_space<hbm>> -> memref<40x128xi32, #tpu.memory_space<hbm>>
        %dma_start3A_56 = arith.constant 0 : i32
        %dma_start3A_57 = tpu.memref_slice %arg4[%add3A_6, %dma_start3A_56] : memref<2500x128xi32, #tpu.memory_space<hbm>> -> memref<40x128xi32, #tpu.memory_space<hbm>>
        tpu.enqueue_dma source(%dma_start3A_57 : memref<40x128xi32, #tpu.memory_space<hbm>>) target(%arg10 : memref<40x128xi32, #tpu.memory_space<vmem>>) target_semaphore(%run_scoped3A : memref<!tpu.dma_semaphore, #tpu.memory_space<semaphore_mem>>)
        %dma_wait3A = arith.constant 0 : i32
        %dma_wait3A_58 = tpu.memref_slice %arg4[%add3A_6, %dma_wait3A] : memref<2500x128xi32, #tpu.memory_space<hbm>> -> memref<40x128xi32, #tpu.memory_space<hbm>>
        %dma_wait3A_59 = arith.constant 0 : i32
        %dma_wait3A_60 = tpu.memref_slice %arg4[%add3A_6, %dma_wait3A_59] : memref<2500x128xi32, #tpu.memory_space<hbm>> -> memref<40x128xi32, #tpu.memory_space<hbm>>
        tpu.wait_dma2 semaphore(%run_scoped3A : memref<!tpu.dma_semaphore, #tpu.memory_space<semaphore_mem>>) src(%dma_wait3A_60 : memref<40x128xi32, #tpu.memory_space<hbm>>) dst(%arg10 : memref<40x128xi32, #tpu.memory_space<vmem>>)
        tpu.yield
      }) : () -> ()
    } else {
    }
    %eq3A = arith.constant 31 : i32
    %eq3A_9 = arith.cmpi eq, %add3A, %eq3A : i32
    %convert_element_type3A_10 = arith.extui %eq3A_9 : i1 to i32
    %cond3A_11 = arith.constant 0 : i32
    %cond3A_12 = arith.cmpi ne, %convert_element_type3A_10, %cond3A_11 : i32
    scf.if %cond3A_12 {
      "tpu.region"() ({
        %run_scoped3A = tpu.sem_alloc : memref<!tpu.dma_semaphore, #tpu.memory_space<semaphore_mem>>
        tpu.enqueue_dma source(%arg5 : memref<40x128xi32, #tpu.memory_space<hbm>>) target(%arg9 : memref<40x128xi32, #tpu.memory_space<vmem>>) target_semaphore(%run_scoped3A : memref<!tpu.dma_semaphore, #tpu.memory_space<semaphore_mem>>)
        tpu.wait_dma2 semaphore(%run_scoped3A : memref<!tpu.dma_semaphore, #tpu.memory_space<semaphore_mem>>) src(%arg5 : memref<40x128xi32, #tpu.memory_space<hbm>>) dst(%arg9 : memref<40x128xi32, #tpu.memory_space<vmem>>)
        tpu.yield
      }) : () -> ()
      "tpu.region"() ({
        %run_scoped3A = tpu.sem_alloc : memref<!tpu.dma_semaphore, #tpu.memory_space<semaphore_mem>>
        tpu.enqueue_dma source(%arg6 : memref<40x128xi32, #tpu.memory_space<hbm>>) target(%arg10 : memref<40x128xi32, #tpu.memory_space<vmem>>) target_semaphore(%run_scoped3A : memref<!tpu.dma_semaphore, #tpu.memory_space<semaphore_mem>>)
        tpu.wait_dma2 semaphore(%run_scoped3A : memref<!tpu.dma_semaphore, #tpu.memory_space<semaphore_mem>>) src(%arg6 : memref<40x128xi32, #tpu.memory_space<hbm>>) dst(%arg10 : memref<40x128xi32, #tpu.memory_space<vmem>>)
        tpu.yield
      }) : () -> ()
    } else {
    }
    %dma_start3A = arith.constant 0 : i32
    %dma_start3A_13 = arith.constant 0 : i32
    %dma_start3A_14 = tpu.memref_slice %arg9[%dma_start3A, %dma_start3A_13] : memref<40x128xi32, #tpu.memory_space<vmem>> -> memref<1x128xi32, #tpu.memory_space<vmem>>
    %dma_start3A_15 = tpu.memref_squeeze %dma_start3A_14 : memref<1x128xi32, #tpu.memory_space<vmem>> -> memref<128xi32, #tpu.memory_space<vmem>>
    %dma_start3A_16 = arith.constant 0 : i32
    %dma_start3A_17 = arith.constant 0 : i32
    %dma_start3A_18 = tpu.memref_slice %arg2[%dma_start3A_16, %dma_start3A_17] : memref<10000x128xf32, #tpu.memory_space<hbm>> -> memref<10000x128xf32, #tpu.memory_space<hbm>>
    tpu.enqueue_indirect_dma source(%dma_start3A_18 : memref<10000x128xf32, #tpu.memory_space<hbm>>) target(%arg11 : memref<128x128xf32, #tpu.memory_space<vmem>>) offsets(%dma_start3A_15 : memref<128xi32, #tpu.memory_space<vmem>>) semaphore(%arg13 : memref<!tpu.dma_semaphore, #tpu.memory_space<semaphore_mem>>)
    %scan3A = arith.constant 0 : i32
    %scan3A_19 = arith.constant 0 : i32
    %scan3A_20 = arith.constant 20 : i32
    %scan3A_21 = arith.addi %scan3A_19, %scan3A_20 : i32
    %scan3A_22 = arith.constant 1 : i32
    scf.for %scan3A_54 = %scan3A_19 to %scan3A_21 step %scan3A_22  : i32 {
      %mul3A_55 = arith.constant 2 : i32
      %mul3A_56 = arith.muli %mul3A_55, %scan3A_54 : i32
      %add3A_57 = arith.constant 1 : i32
      %add3A_58 = arith.addi %mul3A_56, %add3A_57 : i32
      %dma_start3A_59 = arith.constant 0 : i32
      %dma_start3A_60 = tpu.memref_slice %arg9[%add3A_58, %dma_start3A_59] : memref<40x128xi32, #tpu.memory_space<vmem>> -> memref<1x128xi32, #tpu.memory_space<vmem>>
      %dma_start3A_61 = tpu.memref_squeeze %dma_start3A_60 : memref<1x128xi32, #tpu.memory_space<vmem>> -> memref<128xi32, #tpu.memory_space<vmem>>
      %dma_start3A_62 = arith.constant 0 : i32
      %dma_start3A_63 = arith.constant 0 : i32
      %dma_start3A_64 = tpu.memref_slice %arg2[%dma_start3A_62, %dma_start3A_63] : memref<10000x128xf32, #tpu.memory_space<hbm>> -> memref<10000x128xf32, #tpu.memory_space<hbm>>
      tpu.enqueue_indirect_dma source(%dma_start3A_64 : memref<10000x128xf32, #tpu.memory_space<hbm>>) target(%arg12 : memref<128x128xf32, #tpu.memory_space<vmem>>) offsets(%dma_start3A_61 : memref<128xi32, #tpu.memory_space<vmem>>) semaphore(%arg14 : memref<!tpu.dma_semaphore, #tpu.memory_space<semaphore_mem>>)
      %dma_wait3A = arith.constant 0 : i32
      %dma_wait3A_65 = tpu.memref_slice %arg9[%mul3A_56, %dma_wait3A] : memref<40x128xi32, #tpu.memory_space<vmem>> -> memref<1x128xi32, #tpu.memory_space<vmem>>
      %dma_wait3A_66 = tpu.memref_squeeze %dma_wait3A_65 : memref<1x128xi32, #tpu.memory_space<vmem>> -> memref<128xi32, #tpu.memory_space<vmem>>
      %dma_wait3A_67 = arith.constant 0 : i32
      %dma_wait3A_68 = arith.constant 0 : i32
      %dma_wait3A_69 = tpu.memref_slice %arg2[%dma_wait3A_67, %dma_wait3A_68] : memref<10000x128xf32, #tpu.memory_space<hbm>> -> memref<10000x128xf32, #tpu.memory_space<hbm>>
      tpu.wait_indirect_dma semaphore(%arg13 : memref<!tpu.dma_semaphore, #tpu.memory_space<semaphore_mem>>) src(%dma_wait3A_69 : memref<10000x128xf32, #tpu.memory_space<hbm>>) dst(%arg11 : memref<128x128xf32, #tpu.memory_space<vmem>>)
      "tpu.region"() ({
        %run_scoped3A = tpu.sem_alloc : memref<!tpu.dma_semaphore, #tpu.memory_space<semaphore_mem>>
        %dma_start3A_85 = arith.constant 0 : i32
        %dma_start3A_86 = tpu.memref_slice %arg10[%mul3A_56, %dma_start3A_85] : memref<40x128xi32, #tpu.memory_space<vmem>> -> memref<1x128xi32, #tpu.memory_space<vmem>>
        %dma_start3A_87 = tpu.memref_squeeze %dma_start3A_86 : memref<1x128xi32, #tpu.memory_space<vmem>> -> memref<128xi32, #tpu.memory_space<vmem>>
        %dma_start3A_88 = arith.constant 0 : i32
        %dma_start3A_89 = arith.constant 0 : i32
        %dma_start3A_90 = tpu.memref_slice %arg15[%dma_start3A_88, %dma_start3A_89] : memref<10240x128xf32, #tpu.memory_space<vmem_shared>> -> memref<10240x128xf32, #tpu.memory_space<vmem_shared>>
        tpu.enqueue_indirect_dma source(%arg11 : memref<128x128xf32, #tpu.memory_space<vmem>>) target(%dma_start3A_90 : memref<10240x128xf32, #tpu.memory_space<vmem_shared>>) offsets(%dma_start3A_87 : memref<128xi32, #tpu.memory_space<vmem>>) semaphore(%run_scoped3A : memref<!tpu.dma_semaphore, #tpu.memory_space<semaphore_mem>>) {add = true}
        %dma_wait3A_91 = arith.constant 0 : i32
        %dma_wait3A_92 = tpu.memref_slice %arg10[%mul3A_56, %dma_wait3A_91] : memref<40x128xi32, #tpu.memory_space<vmem>> -> memref<1x128xi32, #tpu.memory_space<vmem>>
        %dma_wait3A_93 = tpu.memref_squeeze %dma_wait3A_92 : memref<1x128xi32, #tpu.memory_space<vmem>> -> memref<128xi32, #tpu.memory_space<vmem>>
        %dma_wait3A_94 = arith.constant 0 : i32
        %dma_wait3A_95 = arith.constant 0 : i32
        %dma_wait3A_96 = tpu.memref_slice %arg15[%dma_wait3A_94, %dma_wait3A_95] : memref<10240x128xf32, #tpu.memory_space<vmem_shared>> -> memref<10240x128xf32, #tpu.memory_space<vmem_shared>>
        tpu.wait_indirect_dma semaphore(%run_scoped3A : memref<!tpu.dma_semaphore, #tpu.memory_space<semaphore_mem>>) src(%arg11 : memref<128x128xf32, #tpu.memory_space<vmem>>) dst(%dma_wait3A_96 : memref<10240x128xf32, #tpu.memory_space<vmem_shared>>)
        tpu.yield
      }) : () -> ()
      %lt3A_70 = arith.constant 19 : i32
      %lt3A_71 = arith.cmpi slt, %scan3A_54, %lt3A_70 : i32
      %convert_element_type3A_72 = arith.extui %lt3A_71 : i1 to i32
      %cond3A_73 = arith.constant 0 : i32
      %cond3A_74 = arith.cmpi ne, %convert_element_type3A_72, %cond3A_73 : i32
      scf.if %cond3A_74 {
        %add3A_85 = arith.constant 2 : i32
        %add3A_86 = arith.addi %mul3A_56, %add3A_85 : i32
        %dma_start3A_87 = arith.constant 0 : i32
        %dma_start3A_88 = tpu.memref_slice %arg9[%add3A_86, %dma_start3A_87] : memref<40x128xi32, #tpu.memory_space<vmem>> -> memref<1x128xi32, #tpu.memory_space<vmem>>
        %dma_start3A_89 = tpu.memref_squeeze %dma_start3A_88 : memref<1x128xi32, #tpu.memory_space<vmem>> -> memref<128xi32, #tpu.memory_space<vmem>>
        %dma_start3A_90 = arith.constant 0 : i32
        %dma_start3A_91 = arith.constant 0 : i32
        %dma_start3A_92 = tpu.memref_slice %arg2[%dma_start3A_90, %dma_start3A_91] : memref<10000x128xf32, #tpu.memory_space<hbm>> -> memref<10000x128xf32, #tpu.memory_space<hbm>>
        tpu.enqueue_indirect_dma source(%dma_start3A_92 : memref<10000x128xf32, #tpu.memory_space<hbm>>) target(%arg11 : memref<128x128xf32, #tpu.memory_space<vmem>>) offsets(%dma_start3A_89 : memref<128xi32, #tpu.memory_space<vmem>>) semaphore(%arg13 : memref<!tpu.dma_semaphore, #tpu.memory_space<semaphore_mem>>)
      } else {
      }
      %add3A_75 = arith.constant 1 : i32
      %add3A_76 = arith.addi %mul3A_56, %add3A_75 : i32
      %dma_wait3A_77 = arith.constant 0 : i32
      %dma_wait3A_78 = tpu.memref_slice %arg9[%add3A_76, %dma_wait3A_77] : memref<40x128xi32, #tpu.memory_space<vmem>> -> memref<1x128xi32, #tpu.memory_space<vmem>>
      %dma_wait3A_79 = tpu.memref_squeeze %dma_wait3A_78 : memref<1x128xi32, #tpu.memory_space<vmem>> -> memref<128xi32, #tpu.memory_space<vmem>>
      %dma_wait3A_80 = arith.constant 0 : i32
      %dma_wait3A_81 = arith.constant 0 : i32
      %dma_wait3A_82 = tpu.memref_slice %arg2[%dma_wait3A_80, %dma_wait3A_81] : memref<10000x128xf32, #tpu.memory_space<hbm>> -> memref<10000x128xf32, #tpu.memory_space<hbm>>
      tpu.wait_indirect_dma semaphore(%arg14 : memref<!tpu.dma_semaphore, #tpu.memory_space<semaphore_mem>>) src(%dma_wait3A_82 : memref<10000x128xf32, #tpu.memory_space<hbm>>) dst(%arg12 : memref<128x128xf32, #tpu.memory_space<vmem>>)
      %add3A_83 = arith.constant 1 : i32
      %add3A_84 = arith.addi %mul3A_56, %add3A_83 : i32
      "tpu.region"() ({
        %run_scoped3A = tpu.sem_alloc : memref<!tpu.dma_semaphore, #tpu.memory_space<semaphore_mem>>
        %dma_start3A_85 = arith.constant 0 : i32
        %dma_start3A_86 = tpu.memref_slice %arg10[%add3A_84, %dma_start3A_85] : memref<40x128xi32, #tpu.memory_space<vmem>> -> memref<1x128xi32, #tpu.memory_space<vmem>>
        %dma_start3A_87 = tpu.memref_squeeze %dma_start3A_86 : memref<1x128xi32, #tpu.memory_space<vmem>> -> memref<128xi32, #tpu.memory_space<vmem>>
        %dma_start3A_88 = arith.constant 0 : i32
        %dma_start3A_89 = arith.constant 0 : i32
        %dma_start3A_90 = tpu.memref_slice %arg15[%dma_start3A_88, %dma_start3A_89] : memref<10240x128xf32, #tpu.memory_space<vmem_shared>> -> memref<10240x128xf32, #tpu.memory_space<vmem_shared>>
        tpu.enqueue_indirect_dma source(%arg12 : memref<128x128xf32, #tpu.memory_space<vmem>>) target(%dma_start3A_90 : memref<10240x128xf32, #tpu.memory_space<vmem_shared>>) offsets(%dma_start3A_87 : memref<128xi32, #tpu.memory_space<vmem>>) semaphore(%run_scoped3A : memref<!tpu.dma_semaphore, #tpu.memory_space<semaphore_mem>>) {add = true}
        %dma_wait3A_91 = arith.constant 0 : i32
        %dma_wait3A_92 = tpu.memref_slice %arg10[%add3A_84, %dma_wait3A_91] : memref<40x128xi32, #tpu.memory_space<vmem>> -> memref<1x128xi32, #tpu.memory_space<vmem>>
        %dma_wait3A_93 = tpu.memref_squeeze %dma_wait3A_92 : memref<1x128xi32, #tpu.memory_space<vmem>> -> memref<128xi32, #tpu.memory_space<vmem>>
        %dma_wait3A_94 = arith.constant 0 : i32
        %dma_wait3A_95 = arith.constant 0 : i32
        %dma_wait3A_96 = tpu.memref_slice %arg15[%dma_wait3A_94, %dma_wait3A_95] : memref<10240x128xf32, #tpu.memory_space<vmem_shared>> -> memref<10240x128xf32, #tpu.memory_space<vmem_shared>>
        tpu.wait_indirect_dma semaphore(%run_scoped3A : memref<!tpu.dma_semaphore, #tpu.memory_space<semaphore_mem>>) src(%arg12 : memref<128x128xf32, #tpu.memory_space<vmem>>) dst(%dma_wait3A_96 : memref<10240x128xf32, #tpu.memory_space<vmem_shared>>)
        tpu.yield
      }) : () -> ()
    }
    %scan3A_23 = arith.constant 20 : i32
    %mul3A_24 = arith.constant 80 : i32
    %mul3A_25 = arith.muli %add3A, %mul3A_24 : i32
    %add3A_26 = arith.constant 40 : i32
    %add3A_27 = arith.addi %mul3A_25, %add3A_26 : i32
    %lt3A_28 = arith.constant 31 : i32
    %lt3A_29 = arith.cmpi slt, %add3A, %lt3A_28 : i32
    %convert_element_type3A_30 = arith.extui %lt3A_29 : i1 to i32
    %cond3A_31 = arith.constant 0 : i32
    %cond3A_32 = arith.cmpi ne, %convert_element_type3A_30, %cond3A_31 : i32
    scf.if %cond3A_32 {
      "tpu.region"() ({
        %run_scoped3A = tpu.sem_alloc : memref<!tpu.dma_semaphore, #tpu.memory_space<semaphore_mem>>
        %dma_start3A_54 = arith.constant 0 : i32
        %dma_start3A_55 = tpu.memref_slice %arg3[%add3A_27, %dma_start3A_54] : memref<2500x128xi32, #tpu.memory_space<hbm>> -> memref<40x128xi32, #tpu.memory_space<hbm>>
        %dma_start3A_56 = arith.constant 0 : i32
        %dma_start3A_57 = tpu.memref_slice %arg3[%add3A_27, %dma_start3A_56] : memref<2500x128xi32, #tpu.memory_space<hbm>> -> memref<40x128xi32, #tpu.memory_space<hbm>>
        tpu.enqueue_dma source(%dma_start3A_57 : memref<40x128xi32, #tpu.memory_space<hbm>>) target(%arg9 : memref<40x128xi32, #tpu.memory_space<vmem>>) target_semaphore(%run_scoped3A : memref<!tpu.dma_semaphore, #tpu.memory_space<semaphore_mem>>)
        %dma_wait3A = arith.constant 0 : i32
        %dma_wait3A_58 = tpu.memref_slice %arg3[%add3A_27, %dma_wait3A] : memref<2500x128xi32, #tpu.memory_space<hbm>> -> memref<40x128xi32, #tpu.memory_space<hbm>>
        %dma_wait3A_59 = arith.constant 0 : i32
        %dma_wait3A_60 = tpu.memref_slice %arg3[%add3A_27, %dma_wait3A_59] : memref<2500x128xi32, #tpu.memory_space<hbm>> -> memref<40x128xi32, #tpu.memory_space<hbm>>
        tpu.wait_dma2 semaphore(%run_scoped3A : memref<!tpu.dma_semaphore, #tpu.memory_space<semaphore_mem>>) src(%dma_wait3A_60 : memref<40x128xi32, #tpu.memory_space<hbm>>) dst(%arg9 : memref<40x128xi32, #tpu.memory_space<vmem>>)
        tpu.yield
      }) : () -> ()
      "tpu.region"() ({
        %run_scoped3A = tpu.sem_alloc : memref<!tpu.dma_semaphore, #tpu.memory_space<semaphore_mem>>
        %dma_start3A_54 = arith.constant 0 : i32
        %dma_start3A_55 = tpu.memref_slice %arg4[%add3A_27, %dma_start3A_54] : memref<2500x128xi32, #tpu.memory_space<hbm>> -> memref<40x128xi32, #tpu.memory_space<hbm>>
        %dma_start3A_56 = arith.constant 0 : i32
        %dma_start3A_57 = tpu.memref_slice %arg4[%add3A_27, %dma_start3A_56] : memref<2500x128xi32, #tpu.memory_space<hbm>> -> memref<40x128xi32, #tpu.memory_space<hbm>>
        tpu.enqueue_dma source(%dma_start3A_57 : memref<40x128xi32, #tpu.memory_space<hbm>>) target(%arg10 : memref<40x128xi32, #tpu.memory_space<vmem>>) target_semaphore(%run_scoped3A : memref<!tpu.dma_semaphore, #tpu.memory_space<semaphore_mem>>)
        %dma_wait3A = arith.constant 0 : i32
        %dma_wait3A_58 = tpu.memref_slice %arg4[%add3A_27, %dma_wait3A] : memref<2500x128xi32, #tpu.memory_space<hbm>> -> memref<40x128xi32, #tpu.memory_space<hbm>>
        %dma_wait3A_59 = arith.constant 0 : i32
        %dma_wait3A_60 = tpu.memref_slice %arg4[%add3A_27, %dma_wait3A_59] : memref<2500x128xi32, #tpu.memory_space<hbm>> -> memref<40x128xi32, #tpu.memory_space<hbm>>
        tpu.wait_dma2 semaphore(%run_scoped3A : memref<!tpu.dma_semaphore, #tpu.memory_space<semaphore_mem>>) src(%dma_wait3A_60 : memref<40x128xi32, #tpu.memory_space<hbm>>) dst(%arg10 : memref<40x128xi32, #tpu.memory_space<vmem>>)
        tpu.yield
      }) : () -> ()
    } else {
    }
    %eq3A_33 = arith.constant 31 : i32
    %eq3A_34 = arith.cmpi eq, %add3A, %eq3A_33 : i32
    %jit3A = arith.constant 0 : i32
    %jit3A_35 = arith.constant 20 : i32
    %select_n3A = arith.select %eq3A_34, %jit3A, %jit3A_35 : i32
    %gt3A = arith.constant 0 : i32
    %gt3A_36 = arith.cmpi sgt, %select_n3A, %gt3A : i32
    %convert_element_type3A_37 = arith.extui %gt3A_36 : i1 to i32
    %cond3A_38 = arith.constant 0 : i32
    %cond3A_39 = arith.cmpi ne, %convert_element_type3A_37, %cond3A_38 : i32
    scf.if %cond3A_39 {
      %dma_start3A_54 = arith.constant 0 : i32
      %dma_start3A_55 = arith.constant 0 : i32
      %dma_start3A_56 = tpu.memref_slice %arg9[%dma_start3A_54, %dma_start3A_55] : memref<40x128xi32, #tpu.memory_space<vmem>> -> memref<1x128xi32, #tpu.memory_space<vmem>>
      %dma_start3A_57 = tpu.memref_squeeze %dma_start3A_56 : memref<1x128xi32, #tpu.memory_space<vmem>> -> memref<128xi32, #tpu.memory_space<vmem>>
      %dma_start3A_58 = arith.constant 0 : i32
      %dma_start3A_59 = arith.constant 0 : i32
      %dma_start3A_60 = tpu.memref_slice %arg2[%dma_start3A_58, %dma_start3A_59] : memref<10000x128xf32, #tpu.memory_space<hbm>> -> memref<10000x128xf32, #tpu.memory_space<hbm>>
      tpu.enqueue_indirect_dma source(%dma_start3A_60 : memref<10000x128xf32, #tpu.memory_space<hbm>>) target(%arg11 : memref<128x128xf32, #tpu.memory_space<vmem>>) offsets(%dma_start3A_57 : memref<128xi32, #tpu.memory_space<vmem>>) semaphore(%arg13 : memref<!tpu.dma_semaphore, #tpu.memory_space<semaphore_mem>>)
    } else {
    }
    %while3A = arith.constant 0 : i32
    %while3A_40 = arith.constant 0 : i32
    %while3A_41 = arith.subi %select_n3A, %while3A_40 : i32
    %while3A_42 = arith.addi %while3A_40, %while3A_41 : i32
    %while3A_43 = arith.constant 1 : i32
    %while3A_44 = arith.divsi %while3A_41, %while3A_43 : i32
    %while3A_45 = arith.muli %while3A_44, %while3A_43 : i32
    %while3A_46 = arith.addi %while3A_40, %while3A_45 : i32
    %while3A_47 = arith.constant 1 : i32
    scf.for %while3A_54 = %while3A_40 to %while3A_46 step %while3A_47  : i32 {
      %mul3A_55 = arith.constant 2 : i32
      %mul3A_56 = arith.muli %mul3A_55, %while3A_54 : i32
      %add3A_57 = arith.constant 1 : i32
      %add3A_58 = arith.addi %mul3A_56, %add3A_57 : i32
      %dma_start3A_59 = arith.constant 0 : i32
      %dma_start3A_60 = tpu.memref_slice %arg9[%add3A_58, %dma_start3A_59] : memref<40x128xi32, #tpu.memory_space<vmem>> -> memref<1x128xi32, #tpu.memory_space<vmem>>
      %dma_start3A_61 = tpu.memref_squeeze %dma_start3A_60 : memref<1x128xi32, #tpu.memory_space<vmem>> -> memref<128xi32, #tpu.memory_space<vmem>>
      %dma_start3A_62 = arith.constant 0 : i32
      %dma_start3A_63 = arith.constant 0 : i32
      %dma_start3A_64 = tpu.memref_slice %arg2[%dma_start3A_62, %dma_start3A_63] : memref<10000x128xf32, #tpu.memory_space<hbm>> -> memref<10000x128xf32, #tpu.memory_space<hbm>>
      tpu.enqueue_indirect_dma source(%dma_start3A_64 : memref<10000x128xf32, #tpu.memory_space<hbm>>) target(%arg12 : memref<128x128xf32, #tpu.memory_space<vmem>>) offsets(%dma_start3A_61 : memref<128xi32, #tpu.memory_space<vmem>>) semaphore(%arg14 : memref<!tpu.dma_semaphore, #tpu.memory_space<semaphore_mem>>)
      %dma_wait3A = arith.constant 0 : i32
      %dma_wait3A_65 = tpu.memref_slice %arg9[%mul3A_56, %dma_wait3A] : memref<40x128xi32, #tpu.memory_space<vmem>> -> memref<1x128xi32, #tpu.memory_space<vmem>>
      %dma_wait3A_66 = tpu.memref_squeeze %dma_wait3A_65 : memref<1x128xi32, #tpu.memory_space<vmem>> -> memref<128xi32, #tpu.memory_space<vmem>>
      %dma_wait3A_67 = arith.constant 0 : i32
      %dma_wait3A_68 = arith.constant 0 : i32
      %dma_wait3A_69 = tpu.memref_slice %arg2[%dma_wait3A_67, %dma_wait3A_68] : memref<10000x128xf32, #tpu.memory_space<hbm>> -> memref<10000x128xf32, #tpu.memory_space<hbm>>
      tpu.wait_indirect_dma semaphore(%arg13 : memref<!tpu.dma_semaphore, #tpu.memory_space<semaphore_mem>>) src(%dma_wait3A_69 : memref<10000x128xf32, #tpu.memory_space<hbm>>) dst(%arg11 : memref<128x128xf32, #tpu.memory_space<vmem>>)
      "tpu.region"() ({
        %run_scoped3A = tpu.sem_alloc : memref<!tpu.dma_semaphore, #tpu.memory_space<semaphore_mem>>
        %dma_start3A_85 = arith.constant 0 : i32
        %dma_start3A_86 = tpu.memref_slice %arg10[%mul3A_56, %dma_start3A_85] : memref<40x128xi32, #tpu.memory_space<vmem>> -> memref<1x128xi32, #tpu.memory_space<vmem>>
        %dma_start3A_87 = tpu.memref_squeeze %dma_start3A_86 : memref<1x128xi32, #tpu.memory_space<vmem>> -> memref<128xi32, #tpu.memory_space<vmem>>
        %dma_start3A_88 = arith.constant 0 : i32
        %dma_start3A_89 = arith.constant 0 : i32
        %dma_start3A_90 = tpu.memref_slice %arg15[%dma_start3A_88, %dma_start3A_89] : memref<10240x128xf32, #tpu.memory_space<vmem_shared>> -> memref<10240x128xf32, #tpu.memory_space<vmem_shared>>
        tpu.enqueue_indirect_dma source(%arg11 : memref<128x128xf32, #tpu.memory_space<vmem>>) target(%dma_start3A_90 : memref<10240x128xf32, #tpu.memory_space<vmem_shared>>) offsets(%dma_start3A_87 : memref<128xi32, #tpu.memory_space<vmem>>) semaphore(%run_scoped3A : memref<!tpu.dma_semaphore, #tpu.memory_space<semaphore_mem>>) {add = true}
        %dma_wait3A_91 = arith.constant 0 : i32
        %dma_wait3A_92 = tpu.memref_slice %arg10[%mul3A_56, %dma_wait3A_91] : memref<40x128xi32, #tpu.memory_space<vmem>> -> memref<1x128xi32, #tpu.memory_space<vmem>>
        %dma_wait3A_93 = tpu.memref_squeeze %dma_wait3A_92 : memref<1x128xi32, #tpu.memory_space<vmem>> -> memref<128xi32, #tpu.memory_space<vmem>>
        %dma_wait3A_94 = arith.constant 0 : i32
        %dma_wait3A_95 = arith.constant 0 : i32
        %dma_wait3A_96 = tpu.memref_slice %arg15[%dma_wait3A_94, %dma_wait3A_95] : memref<10240x128xf32, #tpu.memory_space<vmem_shared>> -> memref<10240x128xf32, #tpu.memory_space<vmem_shared>>
        tpu.wait_indirect_dma semaphore(%run_scoped3A : memref<!tpu.dma_semaphore, #tpu.memory_space<semaphore_mem>>) src(%arg11 : memref<128x128xf32, #tpu.memory_space<vmem>>) dst(%dma_wait3A_96 : memref<10240x128xf32, #tpu.memory_space<vmem_shared>>)
        tpu.yield
      }) : () -> ()
      %sub3A = arith.constant 1 : i32
      %sub3A_70 = arith.subi %select_n3A, %sub3A : i32
      %lt3A_71 = arith.cmpi slt, %while3A_54, %sub3A_70 : i32
      %convert_element_type3A_72 = arith.extui %lt3A_71 : i1 to i32
      %cond3A_73 = arith.constant 0 : i32
      %cond3A_74 = arith.cmpi ne, %convert_element_type3A_72, %cond3A_73 : i32
      scf.if %cond3A_74 {
        %add3A_85 = arith.constant 2 : i32
        %add3A_86 = arith.addi %mul3A_56, %add3A_85 : i32
        %dma_start3A_87 = arith.constant 0 : i32
        %dma_start3A_88 = tpu.memref_slice %arg9[%add3A_86, %dma_start3A_87] : memref<40x128xi32, #tpu.memory_space<vmem>> -> memref<1x128xi32, #tpu.memory_space<vmem>>
        %dma_start3A_89 = tpu.memref_squeeze %dma_start3A_88 : memref<1x128xi32, #tpu.memory_space<vmem>> -> memref<128xi32, #tpu.memory_space<vmem>>
        %dma_start3A_90 = arith.constant 0 : i32
        %dma_start3A_91 = arith.constant 0 : i32
        %dma_start3A_92 = tpu.memref_slice %arg2[%dma_start3A_90, %dma_start3A_91] : memref<10000x128xf32, #tpu.memory_space<hbm>> -> memref<10000x128xf32, #tpu.memory_space<hbm>>
        tpu.enqueue_indirect_dma source(%dma_start3A_92 : memref<10000x128xf32, #tpu.memory_space<hbm>>) target(%arg11 : memref<128x128xf32, #tpu.memory_space<vmem>>) offsets(%dma_start3A_89 : memref<128xi32, #tpu.memory_space<vmem>>) semaphore(%arg13 : memref<!tpu.dma_semaphore, #tpu.memory_space<semaphore_mem>>)
      } else {
      }
      %add3A_75 = arith.constant 1 : i32
      %add3A_76 = arith.addi %mul3A_56, %add3A_75 : i32
      %dma_wait3A_77 = arith.constant 0 : i32
      %dma_wait3A_78 = tpu.memref_slice %arg9[%add3A_76, %dma_wait3A_77] : memref<40x128xi32, #tpu.memory_space<vmem>> -> memref<1x128xi32, #tpu.memory_space<vmem>>
      %dma_wait3A_79 = tpu.memref_squeeze %dma_wait3A_78 : memref<1x128xi32, #tpu.memory_space<vmem>> -> memref<128xi32, #tpu.memory_space<vmem>>
      %dma_wait3A_80 = arith.constant 0 : i32
      %dma_wait3A_81 = arith.constant 0 : i32
      %dma_wait3A_82 = tpu.memref_slice %arg2[%dma_wait3A_80, %dma_wait3A_81] : memref<10000x128xf32, #tpu.memory_space<hbm>> -> memref<10000x128xf32, #tpu.memory_space<hbm>>
      tpu.wait_indirect_dma semaphore(%arg14 : memref<!tpu.dma_semaphore, #tpu.memory_space<semaphore_mem>>) src(%dma_wait3A_82 : memref<10000x128xf32, #tpu.memory_space<hbm>>) dst(%arg12 : memref<128x128xf32, #tpu.memory_space<vmem>>)
      %add3A_83 = arith.constant 1 : i32
      %add3A_84 = arith.addi %mul3A_56, %add3A_83 : i32
      "tpu.region"() ({
        %run_scoped3A = tpu.sem_alloc : memref<!tpu.dma_semaphore, #tpu.memory_space<semaphore_mem>>
        %dma_start3A_85 = arith.constant 0 : i32
        %dma_start3A_86 = tpu.memref_slice %arg10[%add3A_84, %dma_start3A_85] : memref<40x128xi32, #tpu.memory_space<vmem>> -> memref<1x128xi32, #tpu.memory_space<vmem>>
        %dma_start3A_87 = tpu.memref_squeeze %dma_start3A_86 : memref<1x128xi32, #tpu.memory_space<vmem>> -> memref<128xi32, #tpu.memory_space<vmem>>
        %dma_start3A_88 = arith.constant 0 : i32
        %dma_start3A_89 = arith.constant 0 : i32
        %dma_start3A_90 = tpu.memref_slice %arg15[%dma_start3A_88, %dma_start3A_89] : memref<10240x128xf32, #tpu.memory_space<vmem_shared>> -> memref<10240x128xf32, #tpu.memory_space<vmem_shared>>
        tpu.enqueue_indirect_dma source(%arg12 : memref<128x128xf32, #tpu.memory_space<vmem>>) target(%dma_start3A_90 : memref<10240x128xf32, #tpu.memory_space<vmem_shared>>) offsets(%dma_start3A_87 : memref<128xi32, #tpu.memory_space<vmem>>) semaphore(%run_scoped3A : memref<!tpu.dma_semaphore, #tpu.memory_space<semaphore_mem>>) {add = true}
        %dma_wait3A_91 = arith.constant 0 : i32
        %dma_wait3A_92 = tpu.memref_slice %arg10[%add3A_84, %dma_wait3A_91] : memref<40x128xi32, #tpu.memory_space<vmem>> -> memref<1x128xi32, #tpu.memory_space<vmem>>
        %dma_wait3A_93 = tpu.memref_squeeze %dma_wait3A_92 : memref<1x128xi32, #tpu.memory_space<vmem>> -> memref<128xi32, #tpu.memory_space<vmem>>
        %dma_wait3A_94 = arith.constant 0 : i32
        %dma_wait3A_95 = arith.constant 0 : i32
        %dma_wait3A_96 = tpu.memref_slice %arg15[%dma_wait3A_94, %dma_wait3A_95] : memref<10240x128xf32, #tpu.memory_space<vmem_shared>> -> memref<10240x128xf32, #tpu.memory_space<vmem_shared>>
        tpu.wait_indirect_dma semaphore(%run_scoped3A : memref<!tpu.dma_semaphore, #tpu.memory_space<semaphore_mem>>) src(%arg12 : memref<128x128xf32, #tpu.memory_space<vmem>>) dst(%dma_wait3A_96 : memref<10240x128xf32, #tpu.memory_space<vmem_shared>>)
        tpu.yield
      }) : () -> ()
    }
    %while3A_48 = arith.constant 1 : i32
    scf.for %while3A_54 = %while3A_46 to %while3A_42 step %while3A_48  : i32 {
      %mul3A_55 = arith.constant 2 : i32
      %mul3A_56 = arith.muli %mul3A_55, %while3A_54 : i32
      %add3A_57 = arith.constant 1 : i32
      %add3A_58 = arith.addi %mul3A_56, %add3A_57 : i32
      %dma_start3A_59 = arith.constant 0 : i32
      %dma_start3A_60 = tpu.memref_slice %arg9[%add3A_58, %dma_start3A_59] : memref<40x128xi32, #tpu.memory_space<vmem>> -> memref<1x128xi32, #tpu.memory_space<vmem>>
      %dma_start3A_61 = tpu.memref_squeeze %dma_start3A_60 : memref<1x128xi32, #tpu.memory_space<vmem>> -> memref<128xi32, #tpu.memory_space<vmem>>
      %dma_start3A_62 = arith.constant 0 : i32
      %dma_start3A_63 = arith.constant 0 : i32
      %dma_start3A_64 = tpu.memref_slice %arg2[%dma_start3A_62, %dma_start3A_63] : memref<10000x128xf32, #tpu.memory_space<hbm>> -> memref<10000x128xf32, #tpu.memory_space<hbm>>
      tpu.enqueue_indirect_dma source(%dma_start3A_64 : memref<10000x128xf32, #tpu.memory_space<hbm>>) target(%arg12 : memref<128x128xf32, #tpu.memory_space<vmem>>) offsets(%dma_start3A_61 : memref<128xi32, #tpu.memory_space<vmem>>) semaphore(%arg14 : memref<!tpu.dma_semaphore, #tpu.memory_space<semaphore_mem>>)
      %dma_wait3A = arith.constant 0 : i32
      %dma_wait3A_65 = tpu.memref_slice %arg9[%mul3A_56, %dma_wait3A] : memref<40x128xi32, #tpu.memory_space<vmem>> -> memref<1x128xi32, #tpu.memory_space<vmem>>
      %dma_wait3A_66 = tpu.memref_squeeze %dma_wait3A_65 : memref<1x128xi32, #tpu.memory_space<vmem>> -> memref<128xi32, #tpu.memory_space<vmem>>
      %dma_wait3A_67 = arith.constant 0 : i32
      %dma_wait3A_68 = arith.constant 0 : i32
      %dma_wait3A_69 = tpu.memref_slice %arg2[%dma_wait3A_67, %dma_wait3A_68] : memref<10000x128xf32, #tpu.memory_space<hbm>> -> memref<10000x128xf32, #tpu.memory_space<hbm>>
      tpu.wait_indirect_dma semaphore(%arg13 : memref<!tpu.dma_semaphore, #tpu.memory_space<semaphore_mem>>) src(%dma_wait3A_69 : memref<10000x128xf32, #tpu.memory_space<hbm>>) dst(%arg11 : memref<128x128xf32, #tpu.memory_space<vmem>>)
      "tpu.region"() ({
        %run_scoped3A = tpu.sem_alloc : memref<!tpu.dma_semaphore, #tpu.memory_space<semaphore_mem>>
        %dma_start3A_85 = arith.constant 0 : i32
        %dma_start3A_86 = tpu.memref_slice %arg10[%mul3A_56, %dma_start3A_85] : memref<40x128xi32, #tpu.memory_space<vmem>> -> memref<1x128xi32, #tpu.memory_space<vmem>>
        %dma_start3A_87 = tpu.memref_squeeze %dma_start3A_86 : memref<1x128xi32, #tpu.memory_space<vmem>> -> memref<128xi32, #tpu.memory_space<vmem>>
        %dma_start3A_88 = arith.constant 0 : i32
        %dma_start3A_89 = arith.constant 0 : i32
        %dma_start3A_90 = tpu.memref_slice %arg15[%dma_start3A_88, %dma_start3A_89] : memref<10240x128xf32, #tpu.memory_space<vmem_shared>> -> memref<10240x128xf32, #tpu.memory_space<vmem_shared>>
        tpu.enqueue_indirect_dma source(%arg11 : memref<128x128xf32, #tpu.memory_space<vmem>>) target(%dma_start3A_90 : memref<10240x128xf32, #tpu.memory_space<vmem_shared>>) offsets(%dma_start3A_87 : memref<128xi32, #tpu.memory_space<vmem>>) semaphore(%run_scoped3A : memref<!tpu.dma_semaphore, #tpu.memory_space<semaphore_mem>>) {add = true}
        %dma_wait3A_91 = arith.constant 0 : i32
        %dma_wait3A_92 = tpu.memref_slice %arg10[%mul3A_56, %dma_wait3A_91] : memref<40x128xi32, #tpu.memory_space<vmem>> -> memref<1x128xi32, #tpu.memory_space<vmem>>
        %dma_wait3A_93 = tpu.memref_squeeze %dma_wait3A_92 : memref<1x128xi32, #tpu.memory_space<vmem>> -> memref<128xi32, #tpu.memory_space<vmem>>
        %dma_wait3A_94 = arith.constant 0 : i32
        %dma_wait3A_95 = arith.constant 0 : i32
        %dma_wait3A_96 = tpu.memref_slice %arg15[%dma_wait3A_94, %dma_wait3A_95] : memref<10240x128xf32, #tpu.memory_space<vmem_shared>> -> memref<10240x128xf32, #tpu.memory_space<vmem_shared>>
        tpu.wait_indirect_dma semaphore(%run_scoped3A : memref<!tpu.dma_semaphore, #tpu.memory_space<semaphore_mem>>) src(%arg11 : memref<128x128xf32, #tpu.memory_space<vmem>>) dst(%dma_wait3A_96 : memref<10240x128xf32, #tpu.memory_space<vmem_shared>>)
        tpu.yield
      }) : () -> ()
      %sub3A = arith.constant 1 : i32
      %sub3A_70 = arith.subi %select_n3A, %sub3A : i32
      %lt3A_71 = arith.cmpi slt, %while3A_54, %sub3A_70 : i32
      %convert_element_type3A_72 = arith.extui %lt3A_71 : i1 to i32
      %cond3A_73 = arith.constant 0 : i32
      %cond3A_74 = arith.cmpi ne, %convert_element_type3A_72, %cond3A_73 : i32
      scf.if %cond3A_74 {
        %add3A_85 = arith.constant 2 : i32
        %add3A_86 = arith.addi %mul3A_56, %add3A_85 : i32
        %dma_start3A_87 = arith.constant 0 : i32
        %dma_start3A_88 = tpu.memref_slice %arg9[%add3A_86, %dma_start3A_87] : memref<40x128xi32, #tpu.memory_space<vmem>> -> memref<1x128xi32, #tpu.memory_space<vmem>>
        %dma_start3A_89 = tpu.memref_squeeze %dma_start3A_88 : memref<1x128xi32, #tpu.memory_space<vmem>> -> memref<128xi32, #tpu.memory_space<vmem>>
        %dma_start3A_90 = arith.constant 0 : i32
        %dma_start3A_91 = arith.constant 0 : i32
        %dma_start3A_92 = tpu.memref_slice %arg2[%dma_start3A_90, %dma_start3A_91] : memref<10000x128xf32, #tpu.memory_space<hbm>> -> memref<10000x128xf32, #tpu.memory_space<hbm>>
        tpu.enqueue_indirect_dma source(%dma_start3A_92 : memref<10000x128xf32, #tpu.memory_space<hbm>>) target(%arg11 : memref<128x128xf32, #tpu.memory_space<vmem>>) offsets(%dma_start3A_89 : memref<128xi32, #tpu.memory_space<vmem>>) semaphore(%arg13 : memref<!tpu.dma_semaphore, #tpu.memory_space<semaphore_mem>>)
      } else {
      }
      %add3A_75 = arith.constant 1 : i32
      %add3A_76 = arith.addi %mul3A_56, %add3A_75 : i32
      %dma_wait3A_77 = arith.constant 0 : i32
      %dma_wait3A_78 = tpu.memref_slice %arg9[%add3A_76, %dma_wait3A_77] : memref<40x128xi32, #tpu.memory_space<vmem>> -> memref<1x128xi32, #tpu.memory_space<vmem>>
      %dma_wait3A_79 = tpu.memref_squeeze %dma_wait3A_78 : memref<1x128xi32, #tpu.memory_space<vmem>> -> memref<128xi32, #tpu.memory_space<vmem>>
      %dma_wait3A_80 = arith.constant 0 : i32
      %dma_wait3A_81 = arith.constant 0 : i32
      %dma_wait3A_82 = tpu.memref_slice %arg2[%dma_wait3A_80, %dma_wait3A_81] : memref<10000x128xf32, #tpu.memory_space<hbm>> -> memref<10000x128xf32, #tpu.memory_space<hbm>>
      tpu.wait_indirect_dma semaphore(%arg14 : memref<!tpu.dma_semaphore, #tpu.memory_space<semaphore_mem>>) src(%dma_wait3A_82 : memref<10000x128xf32, #tpu.memory_space<hbm>>) dst(%arg12 : memref<128x128xf32, #tpu.memory_space<vmem>>)
      %add3A_83 = arith.constant 1 : i32
      %add3A_84 = arith.addi %mul3A_56, %add3A_83 : i32
      "tpu.region"() ({
        %run_scoped3A = tpu.sem_alloc : memref<!tpu.dma_semaphore, #tpu.memory_space<semaphore_mem>>
        %dma_start3A_85 = arith.constant 0 : i32
        %dma_start3A_86 = tpu.memref_slice %arg10[%add3A_84, %dma_start3A_85] : memref<40x128xi32, #tpu.memory_space<vmem>> -> memref<1x128xi32, #tpu.memory_space<vmem>>
        %dma_start3A_87 = tpu.memref_squeeze %dma_start3A_86 : memref<1x128xi32, #tpu.memory_space<vmem>> -> memref<128xi32, #tpu.memory_space<vmem>>
        %dma_start3A_88 = arith.constant 0 : i32
        %dma_start3A_89 = arith.constant 0 : i32
        %dma_start3A_90 = tpu.memref_slice %arg15[%dma_start3A_88, %dma_start3A_89] : memref<10240x128xf32, #tpu.memory_space<vmem_shared>> -> memref<10240x128xf32, #tpu.memory_space<vmem_shared>>
        tpu.enqueue_indirect_dma source(%arg12 : memref<128x128xf32, #tpu.memory_space<vmem>>) target(%dma_start3A_90 : memref<10240x128xf32, #tpu.memory_space<vmem_shared>>) offsets(%dma_start3A_87 : memref<128xi32, #tpu.memory_space<vmem>>) semaphore(%run_scoped3A : memref<!tpu.dma_semaphore, #tpu.memory_space<semaphore_mem>>) {add = true}
        %dma_wait3A_91 = arith.constant 0 : i32
        %dma_wait3A_92 = tpu.memref_slice %arg10[%add3A_84, %dma_wait3A_91] : memref<40x128xi32, #tpu.memory_space<vmem>> -> memref<1x128xi32, #tpu.memory_space<vmem>>
        %dma_wait3A_93 = tpu.memref_squeeze %dma_wait3A_92 : memref<1x128xi32, #tpu.memory_space<vmem>> -> memref<128xi32, #tpu.memory_space<vmem>>
        %dma_wait3A_94 = arith.constant 0 : i32
        %dma_wait3A_95 = arith.constant 0 : i32
        %dma_wait3A_96 = tpu.memref_slice %arg15[%dma_wait3A_94, %dma_wait3A_95] : memref<10240x128xf32, #tpu.memory_space<vmem_shared>> -> memref<10240x128xf32, #tpu.memory_space<vmem_shared>>
        tpu.wait_indirect_dma semaphore(%run_scoped3A : memref<!tpu.dma_semaphore, #tpu.memory_space<semaphore_mem>>) src(%arg12 : memref<128x128xf32, #tpu.memory_space<vmem>>) dst(%dma_wait3A_96 : memref<10240x128xf32, #tpu.memory_space<vmem_shared>>)
        tpu.yield
      }) : () -> ()
    }
    %barrier3A_49 = arith.constant 0 : index
    tpu.barrier barrier_id(%barrier3A_49)
    %mul3A_50 = arith.constant 640 : i32
    %mul3A_51 = arith.muli %arg1, %mul3A_50 : i32
    %mul3A_52 = arith.constant 640 : i32
    %mul3A_53 = arith.muli %arg1, %mul3A_52 : i32
    "tpu.region"() ({
      %run_scoped3A = tpu.sem_alloc : memref<!tpu.dma_semaphore, #tpu.memory_space<semaphore_mem>>
      %dma_start3A_54 = arith.constant 0 : i32
      %dma_start3A_55 = tpu.memref_slice %arg8[%arg0, %mul3A_53, %dma_start3A_54] : memref<2x10240x128xf32, #tpu.memory_space<hbm>> -> memref<1x640x128xf32, #tpu.memory_space<hbm>>
      %dma_start3A_56 = tpu.memref_squeeze %dma_start3A_55 : memref<1x640x128xf32, #tpu.memory_space<hbm>> -> memref<640x128xf32, #tpu.memory_space<hbm>>
      %dma_start3A_57 = arith.constant 0 : i32
      %dma_start3A_58 = tpu.memref_slice %arg15[%mul3A_51, %dma_start3A_57] : memref<10240x128xf32, #tpu.memory_space<vmem_shared>> -> memref<640x128xf32, #tpu.memory_space<vmem_shared>>
      tpu.enqueue_dma source(%dma_start3A_58 : memref<640x128xf32, #tpu.memory_space<vmem_shared>>) target(%dma_start3A_56 : memref<640x128xf32, #tpu.memory_space<hbm>>) target_semaphore(%run_scoped3A : memref<!tpu.dma_semaphore, #tpu.memory_space<semaphore_mem>>)
      %dma_wait3A = arith.constant 0 : i32
      %dma_wait3A_59 = tpu.memref_slice %arg8[%arg0, %mul3A_53, %dma_wait3A] : memref<2x10240x128xf32, #tpu.memory_space<hbm>> -> memref<1x640x128xf32, #tpu.memory_space<hbm>>
      %dma_wait3A_60 = tpu.memref_squeeze %dma_wait3A_59 : memref<1x640x128xf32, #tpu.memory_space<hbm>> -> memref<640x128xf32, #tpu.memory_space<hbm>>
      %dma_wait3A_61 = arith.constant 0 : i32
      %dma_wait3A_62 = tpu.memref_slice %arg15[%mul3A_51, %dma_wait3A_61] : memref<10240x128xf32, #tpu.memory_space<vmem_shared>> -> memref<640x128xf32, #tpu.memory_space<vmem_shared>>
      tpu.wait_dma2 semaphore(%run_scoped3A : memref<!tpu.dma_semaphore, #tpu.memory_space<semaphore_mem>>) src(%dma_wait3A_62 : memref<640x128xf32, #tpu.memory_space<vmem_shared>>) dst(%dma_wait3A_60 : memref<640x128xf32, #tpu.memory_space<hbm>>)
      tpu.yield
    }) : () -> ()
    return
  }
}

module attributes {stable_mosaic.version = 14 : i64} {
  func.func @_mm_body(%arg0: i32, %arg1: memref<1000x128xf32, #tpu.memory_space<vmem>>, %arg2: memref<128x128xf32, #tpu.memory_space<vmem>>, %arg3: memref<2x1000x1xf32, #tpu.memory_space<vmem>>, %arg4: memref<1000x128xf32, #tpu.memory_space<vmem>>) attributes {dimension_semantics = [#tpu.dimension_semantics<arbitrary>], iteration_bounds = array<i64: 10>, scalar_prefetch = 0 : i64, scratch_operands = 0 : i64, tpu.core_type = #tpu.core_type<tc>, window_params = [{transform_indices = @transform_0, window_bounds = array<i64: 1000, 128>}, {pipeline_mode = #tpu.pipeline_mode<synchronous>, transform_indices = @transform_1, window_bounds = array<i64: 128, 128>}, {transform_indices = @transform_2, window_bounds = array<i64: 2, 1000, 1>}, {transform_indices = @transform_3, window_bounds = array<i64: 1000, 128>}]} {
    %get3A = arith.constant 0 : index
    %get3A_0 = arith.constant 0 : index
    %get3A_1 = vector.load %arg1[%get3A, %get3A_0] : memref<1000x128xf32, #tpu.memory_space<vmem>>, vector<1000x128xf32>
    %get3A_2 = arith.constant 0 : index
    %get3A_3 = arith.constant 0 : index
    %get3A_4 = vector.load %arg2[%get3A_2, %get3A_3] : memref<128x128xf32, #tpu.memory_space<vmem>>, vector<128x128xf32>
    %dot_general3A = arith.constant dense<0.000000e+00> : vector<1000x128xf32>
    %dot_general3A_5 = tpu.matmul %get3A_1, %get3A_4, %dot_general3A {dimension_numbers = #tpu.dot_dimension_numbers<[1], [0], [0], [1], [0, 0, 1, 1], [], []>, transpose_lhs_hint = false} : vector<1000x128xf32>, vector<128x128xf32>, vector<1000x128xf32> -> vector<1000x128xf32>
    %get3A_6 = arith.constant 0 : index
    %get3A_7 = arith.constant 0 : index
    %get3A_8 = arith.constant 0 : index
    %get3A_9 = vector.load %arg3[%get3A_6, %get3A_7, %get3A_8] : memref<2x1000x1xf32, #tpu.memory_space<vmem>>, vector<1x1000x1xf32>
    %get3A_10 = vector.shape_cast %get3A_9 : vector<1x1000x1xf32> to vector<1000x1xf32>
    %get3A_11 = arith.constant 1 : index
    %get3A_12 = arith.constant 0 : index
    %get3A_13 = arith.constant 0 : index
    %get3A_14 = vector.load %arg3[%get3A_11, %get3A_12, %get3A_13] : memref<2x1000x1xf32, #tpu.memory_space<vmem>>, vector<1x1000x1xf32>
    %get3A_15 = vector.shape_cast %get3A_14 : vector<1x1000x1xf32> to vector<1000x1xf32>
    %add3A = arith.addf %get3A_10, %get3A_15 : vector<1000x1xf32>
    %add3A_16 = arith.constant 1.000000e+00 : f32
    %add3A_17 = vector.broadcast %add3A_16 : f32 to vector<1000x1xf32>
    %add3A_18 = arith.addf %add3A, %add3A_17 : vector<1000x1xf32>
    %rsqrt3A = math.rsqrt %add3A_18 : vector<1000x1xf32>
    %mul3A = vector.broadcast %rsqrt3A : vector<1000x1xf32> to vector<1000x128xf32>
    %mul3A_19 = arith.mulf %dot_general3A_5, %mul3A : vector<1000x128xf32>
    %swap3A = arith.constant 0 : index
    %swap3A_20 = arith.constant 0 : index
    %swap3A_21 = vector.load %arg4[%swap3A, %swap3A_20] : memref<1000x128xf32, #tpu.memory_space<vmem>>, vector<1000x128xf32>
    tpu.vector_store %arg4[%swap3A, %swap3A_20], %mul3A_19 {strides = array<i32>} : memref<1000x128xf32, #tpu.memory_space<vmem>>, vector<1000x128xf32>,
    return
  }
  func.func @transform_0(%arg0: i32) -> (i32, i32) {
    %c0_i32 = arith.constant 0 : i32
    %c0_i32_0 = arith.constant 0 : i32
    return %arg0, %c0_i32 : i32, i32
  }
  func.func @transform_1(%arg0: i32) -> (i32, i32) {
    %c0_i32 = arith.constant 0 : i32
    %c0_i32_0 = arith.constant 0 : i32
    %c0_i32_1 = arith.constant 0 : i32
    return %c0_i32, %c0_i32_0 : i32, i32
  }
  func.func @transform_2(%arg0: i32) -> (i32, i32, i32) {
    %c0_i32 = arith.constant 0 : i32
    %c0_i32_0 = arith.constant 0 : i32
    %c0_i32_1 = arith.constant 0 : i32
    return %c0_i32, %arg0, %c0_i32_0 : i32, i32, i32
  }
  func.func @transform_3(%arg0: i32) -> (i32, i32) {
    %c0_i32 = arith.constant 0 : i32
    %c0_i32_0 = arith.constant 0 : i32
    return %arg0, %c0_i32 : i32, i32
  }
}

module attributes {stable_mosaic.version = 14 : i64} {
  func.func @_d1_body(%arg0: i32, %arg1: memref<2x1000x128xf32, #tpu.memory_space<vmem>>, %arg2: memref<1000x128xf32, #tpu.memory_space<vmem>>, %arg3: memref<2x1000x1xf32, #tpu.memory_space<vmem>>, %arg4: memref<1x128xf32, #tpu.memory_space<vmem>>, %arg5: memref<1000x128xf32, #tpu.memory_space<vmem>>, %arg6: memref<2x128xf32, #tpu.memory_space<vmem>>, %arg7: memref<1x128xf32, #tpu.memory_space<vmem>>, %arg8: memref<1x128xf32, #tpu.memory_space<vmem>>) attributes {dimension_semantics = [#tpu.dimension_semantics<arbitrary>], iteration_bounds = array<i64: 10>, scalar_prefetch = 0 : i64, scratch_operands = 2 : i64, tpu.core_type = #tpu.core_type<tc>, window_params = [{transform_indices = @transform_0, window_bounds = array<i64: 2, 1000, 128>}, {transform_indices = @transform_1, window_bounds = array<i64: 1000, 128>}, {transform_indices = @transform_2, window_bounds = array<i64: 2, 1000, 1>}, {pipeline_mode = #tpu.pipeline_mode<synchronous>, transform_indices = @transform_3, window_bounds = array<i64: 1, 128>}, {transform_indices = @transform_4, window_bounds = array<i64: 1000, 128>}, {pipeline_mode = #tpu.pipeline_mode<synchronous>, transform_indices = @transform_5, window_bounds = array<i64: 2, 128>}]} {
    %get3A = arith.constant 0 : index
    %get3A_0 = arith.constant 0 : index
    %get3A_1 = arith.constant 0 : index
    %get3A_2 = vector.load %arg1[%get3A, %get3A_0, %get3A_1] : memref<2x1000x128xf32, #tpu.memory_space<vmem>>, vector<1x1000x128xf32>
    %get3A_3 = vector.shape_cast %get3A_2 : vector<1x1000x128xf32> to vector<1000x128xf32>
    %get3A_4 = arith.constant 1 : index
    %get3A_5 = arith.constant 0 : index
    %get3A_6 = arith.constant 0 : index
    %get3A_7 = vector.load %arg1[%get3A_4, %get3A_5, %get3A_6] : memref<2x1000x128xf32, #tpu.memory_space<vmem>>, vector<1x1000x128xf32>
    %get3A_8 = vector.shape_cast %get3A_7 : vector<1x1000x128xf32> to vector<1000x128xf32>
    %add3A = arith.addf %get3A_3, %get3A_8 : vector<1000x128xf32>
    %get3A_9 = arith.constant 0 : index
    %get3A_10 = arith.constant 0 : index
    %get3A_11 = arith.constant 0 : index
    %get3A_12 = vector.load %arg3[%get3A_9, %get3A_10, %get3A_11] : memref<2x1000x1xf32, #tpu.memory_space<vmem>>, vector<1x1000x1xf32>
    %get3A_13 = vector.shape_cast %get3A_12 : vector<1x1000x1xf32> to vector<1000x1xf32>
    %get3A_14 = arith.constant 1 : index
    %get3A_15 = arith.constant 0 : index
    %get3A_16 = arith.constant 0 : index
    %get3A_17 = vector.load %arg3[%get3A_14, %get3A_15, %get3A_16] : memref<2x1000x1xf32, #tpu.memory_space<vmem>>, vector<1x1000x1xf32>
    %get3A_18 = vector.shape_cast %get3A_17 : vector<1x1000x1xf32> to vector<1000x1xf32>
    %add3A_19 = arith.addf %get3A_13, %get3A_18 : vector<1000x1xf32>
    %add3A_20 = arith.constant 1.000000e+00 : f32
    %add3A_21 = vector.broadcast %add3A_20 : f32 to vector<1000x1xf32>
    %add3A_22 = arith.addf %add3A_19, %add3A_21 : vector<1000x1xf32>
    %rsqrt3A = math.rsqrt %add3A_22 : vector<1000x1xf32>
    %get3A_23 = arith.constant 0 : index
    %get3A_24 = arith.constant 0 : index
    %get3A_25 = vector.load %arg2[%get3A_23, %get3A_24] : memref<1000x128xf32, #tpu.memory_space<vmem>>, vector<1000x128xf32>
    %add3A_26 = arith.addf %add3A, %get3A_25 : vector<1000x128xf32>
    %mul3A = vector.broadcast %rsqrt3A : vector<1000x1xf32> to vector<1000x128xf32>
    %mul3A_27 = arith.mulf %mul3A, %add3A_26 : vector<1000x128xf32>
    %get3A_28 = arith.constant 0 : index
    %get3A_29 = arith.constant 0 : index
    %get3A_30 = vector.load %arg4[%get3A_28, %get3A_29] : memref<1x128xf32, #tpu.memory_space<vmem>>, vector<1x128xf32>
    %add3A_31 = vector.broadcast %get3A_30 : vector<1x128xf32> to vector<1000x128xf32>
    %add3A_32 = arith.addf %mul3A_27, %add3A_31 : vector<1000x128xf32>
    %swap3A = arith.constant 0 : index
    %swap3A_33 = arith.constant 0 : index
    %swap3A_34 = vector.load %arg5[%swap3A, %swap3A_33] : memref<1000x128xf32, #tpu.memory_space<vmem>>, vector<1000x128xf32>
    tpu.vector_store %arg5[%swap3A, %swap3A_33], %add3A_32 {strides = array<i32>} : memref<1000x128xf32, #tpu.memory_space<vmem>>, vector<1000x128xf32>,
    %eq3A = arith.constant 0 : i32
    %eq3A_35 = arith.cmpi eq, %arg0, %eq3A : i32
    %convert_element_type3A = arith.extui %eq3A_35 : i1 to i32
    %cond3A = arith.constant 0 : i32
    %cond3A_36 = arith.cmpi ne, %convert_element_type3A, %cond3A : i32
    scf.if %cond3A_36 {
      %broadcast_in_dim3A_61 = arith.constant 0.000000e+00 : f32
      %broadcast_in_dim3A_62 = vector.broadcast %broadcast_in_dim3A_61 : f32 to vector<1x128xf32>
      %swap3A_63 = arith.constant 0 : index
      %swap3A_64 = arith.constant 0 : index
      %swap3A_65 = vector.load %arg7[%swap3A_63, %swap3A_64] : memref<1x128xf32, #tpu.memory_space<vmem>>, vector<1x128xf32>
      tpu.vector_store %arg7[%swap3A_63, %swap3A_64], %broadcast_in_dim3A_62 {strides = array<i32>} : memref<1x128xf32, #tpu.memory_space<vmem>>, vector<1x128xf32>,
      %broadcast_in_dim3A_66 = arith.constant 0.000000e+00 : f32
      %broadcast_in_dim3A_67 = vector.broadcast %broadcast_in_dim3A_66 : f32 to vector<1x128xf32>
      %swap3A_68 = arith.constant 0 : index
      %swap3A_69 = arith.constant 0 : index
      %swap3A_70 = vector.load %arg8[%swap3A_68, %swap3A_69] : memref<1x128xf32, #tpu.memory_space<vmem>>, vector<1x128xf32>
      tpu.vector_store %arg8[%swap3A_68, %swap3A_69], %broadcast_in_dim3A_67 {strides = array<i32>} : memref<1x128xf32, #tpu.memory_space<vmem>>, vector<1x128xf32>,
    } else {
    }
    %get3A_37 = arith.constant 0 : index
    %get3A_38 = arith.constant 0 : index
    %get3A_39 = vector.load %arg7[%get3A_37, %get3A_38] : memref<1x128xf32, #tpu.memory_space<vmem>>, vector<1x128xf32>
    %reduce_sum3A = arith.constant dense<0.000000e+00> : vector<128xf32>
    %reduce_sum3A_40 = vector.multi_reduction <add>, %add3A_32, %reduce_sum3A [0] : vector<1000x128xf32> to vector<128xf32>
    %broadcast_in_dim3A = vector.shape_cast %reduce_sum3A_40 : vector<128xf32> to vector<1x128xf32>
    %add3A_41 = arith.addf %get3A_39, %broadcast_in_dim3A : vector<1x128xf32>
    %swap3A_42 = arith.constant 0 : index
    %swap3A_43 = arith.constant 0 : index
    %swap3A_44 = vector.load %arg7[%swap3A_42, %swap3A_43] : memref<1x128xf32, #tpu.memory_space<vmem>>, vector<1x128xf32>
    tpu.vector_store %arg7[%swap3A_42, %swap3A_43], %add3A_41 {strides = array<i32>} : memref<1x128xf32, #tpu.memory_space<vmem>>, vector<1x128xf32>,
    %get3A_45 = arith.constant 0 : index
    %get3A_46 = arith.constant 0 : index
    %get3A_47 = vector.load %arg8[%get3A_45, %get3A_46] : memref<1x128xf32, #tpu.memory_space<vmem>>, vector<1x128xf32>
    %mul3A_48 = arith.mulf %add3A_32, %add3A_32 : vector<1000x128xf32>
    %reduce_sum3A_49 = arith.constant dense<0.000000e+00> : vector<128xf32>
    %reduce_sum3A_50 = vector.multi_reduction <add>, %mul3A_48, %reduce_sum3A_49 [0] : vector<1000x128xf32> to vector<128xf32>
    %broadcast_in_dim3A_51 = vector.shape_cast %reduce_sum3A_50 : vector<128xf32> to vector<1x128xf32>
    %add3A_52 = arith.addf %get3A_47, %broadcast_in_dim3A_51 : vector<1x128xf32>
    %swap3A_53 = arith.constant 0 : index
    %swap3A_54 = arith.constant 0 : index
    %swap3A_55 = vector.load %arg8[%swap3A_53, %swap3A_54] : memref<1x128xf32, #tpu.memory_space<vmem>>, vector<1x128xf32>
    tpu.vector_store %arg8[%swap3A_53, %swap3A_54], %add3A_52 {strides = array<i32>} : memref<1x128xf32, #tpu.memory_space<vmem>>, vector<1x128xf32>,
    %eq3A_56 = arith.constant 9 : i32
    %eq3A_57 = arith.cmpi eq, %arg0, %eq3A_56 : i32
    %convert_element_type3A_58 = arith.extui %eq3A_57 : i1 to i32
    %cond3A_59 = arith.constant 0 : i32
    %cond3A_60 = arith.cmpi ne, %convert_element_type3A_58, %cond3A_59 : i32
    scf.if %cond3A_60 {
      %get3A_61 = arith.constant 0 : index
      %get3A_62 = arith.constant 0 : index
      %get3A_63 = vector.load %arg7[%get3A_61, %get3A_62] : memref<1x128xf32, #tpu.memory_space<vmem>>, vector<1x128xf32>
      %swap3A_64 = arith.constant 0 : index
      %swap3A_65 = arith.constant 0 : index
      %swap3A_66 = vector.load %arg6[%swap3A_64, %swap3A_65] : memref<2x128xf32, #tpu.memory_space<vmem>>, vector<1x128xf32>
      tpu.vector_store %arg6[%swap3A_64, %swap3A_65], %get3A_63 {strides = array<i32>} : memref<2x128xf32, #tpu.memory_space<vmem>>, vector<1x128xf32>,
      %get3A_67 = arith.constant 0 : index
      %get3A_68 = arith.constant 0 : index
      %get3A_69 = vector.load %arg8[%get3A_67, %get3A_68] : memref<1x128xf32, #tpu.memory_space<vmem>>, vector<1x128xf32>
      %swap3A_70 = arith.constant 1 : index
      %swap3A_71 = arith.constant 0 : index
      %swap3A_72 = vector.load %arg6[%swap3A_70, %swap3A_71] : memref<2x128xf32, #tpu.memory_space<vmem>>, vector<1x128xf32>
      tpu.vector_store %arg6[%swap3A_70, %swap3A_71], %get3A_69 {strides = array<i32>} : memref<2x128xf32, #tpu.memory_space<vmem>>, vector<1x128xf32>,
    } else {
    }
    return
  }
  func.func @transform_0(%arg0: i32) -> (i32, i32, i32) {
    %c0_i32 = arith.constant 0 : i32
    %c0_i32_0 = arith.constant 0 : i32
    %c0_i32_1 = arith.constant 0 : i32
    return %c0_i32, %arg0, %c0_i32_0 : i32, i32, i32
  }
  func.func @transform_1(%arg0: i32) -> (i32, i32) {
    %c0_i32 = arith.constant 0 : i32
    %c0_i32_0 = arith.constant 0 : i32
    return %arg0, %c0_i32 : i32, i32
  }
  func.func @transform_2(%arg0: i32) -> (i32, i32, i32) {
    %c0_i32 = arith.constant 0 : i32
    %c0_i32_0 = arith.constant 0 : i32
    %c0_i32_1 = arith.constant 0 : i32
    return %c0_i32, %arg0, %c0_i32_0 : i32, i32, i32
  }
  func.func @transform_3(%arg0: i32) -> (i32, i32) {
    %c0_i32 = arith.constant 0 : i32
    %c0_i32_0 = arith.constant 0 : i32
    %c0_i32_1 = arith.constant 0 : i32
    return %c0_i32, %c0_i32_0 : i32, i32
  }
  func.func @transform_4(%arg0: i32) -> (i32, i32) {
    %c0_i32 = arith.constant 0 : i32
    %c0_i32_0 = arith.constant 0 : i32
    return %arg0, %c0_i32 : i32, i32
  }
  func.func @transform_5(%arg0: i32) -> (i32, i32) {
    %c0_i32 = arith.constant 0 : i32
    %c0_i32_0 = arith.constant 0 : i32
    %c0_i32_1 = arith.constant 0 : i32
    return %c0_i32, %c0_i32_0 : i32, i32
  }
}

module attributes {stable_mosaic.version = 14 : i64} {
  func.func @_d2_body(%arg0: i32, %arg1: memref<1000x128xf32, #tpu.memory_space<vmem>>, %arg2: memref<2x128xf32, #tpu.memory_space<vmem>>, %arg3: memref<1x128xf32, #tpu.memory_space<vmem>>, %arg4: memref<1x128xf32, #tpu.memory_space<vmem>>, %arg5: memref<1000x128xf32, #tpu.memory_space<vmem>>) attributes {dimension_semantics = [#tpu.dimension_semantics<arbitrary>], iteration_bounds = array<i64: 10>, scalar_prefetch = 0 : i64, scratch_operands = 0 : i64, tpu.core_type = #tpu.core_type<tc>, window_params = [{transform_indices = @transform_0, window_bounds = array<i64: 1000, 128>}, {pipeline_mode = #tpu.pipeline_mode<synchronous>, transform_indices = @transform_1, window_bounds = array<i64: 2, 128>}, {pipeline_mode = #tpu.pipeline_mode<synchronous>, transform_indices = @transform_2, window_bounds = array<i64: 1, 128>}, {pipeline_mode = #tpu.pipeline_mode<synchronous>, transform_indices = @transform_3, window_bounds = array<i64: 1, 128>}, {transform_indices = @transform_4, window_bounds = array<i64: 1000, 128>}]} {
    %get3A = arith.constant 0 : index
    %get3A_0 = arith.constant 0 : index
    %get3A_1 = vector.load %arg2[%get3A, %get3A_0] : memref<2x128xf32, #tpu.memory_space<vmem>>, vector<1x128xf32>
    %div3A = arith.constant 1.000000e+04 : f32
    %div3A_2 = vector.broadcast %div3A : f32 to vector<1x128xf32>
    %div3A_3 = arith.divf %get3A_1, %div3A_2 : vector<1x128xf32>
    %get3A_4 = arith.constant 1 : index
    %get3A_5 = arith.constant 0 : index
    %get3A_6 = vector.load %arg2[%get3A_4, %get3A_5] : memref<2x128xf32, #tpu.memory_space<vmem>>, vector<1x128xf32>
    %div3A_7 = arith.constant 1.000000e+04 : f32
    %div3A_8 = vector.broadcast %div3A_7 : f32 to vector<1x128xf32>
    %div3A_9 = arith.divf %get3A_6, %div3A_8 : vector<1x128xf32>
    %mul3A = arith.mulf %div3A_3, %div3A_3 : vector<1x128xf32>
    %sub3A = arith.subf %div3A_9, %mul3A : vector<1x128xf32>
    %add3A = arith.constant 9.99999974E-6 : f32
    %add3A_10 = vector.broadcast %add3A : f32 to vector<1x128xf32>
    %add3A_11 = arith.addf %sub3A, %add3A_10 : vector<1x128xf32>
    %rsqrt3A = math.rsqrt %add3A_11 : vector<1x128xf32>
    %get3A_12 = arith.constant 0 : index
    %get3A_13 = arith.constant 0 : index
    %get3A_14 = vector.load %arg1[%get3A_12, %get3A_13] : memref<1000x128xf32, #tpu.memory_space<vmem>>, vector<1000x128xf32>
    %sub3A_15 = vector.broadcast %div3A_3 : vector<1x128xf32> to vector<1000x128xf32>
    %sub3A_16 = arith.subf %get3A_14, %sub3A_15 : vector<1000x128xf32>
    %mul3A_17 = vector.broadcast %rsqrt3A : vector<1x128xf32> to vector<1000x128xf32>
    %mul3A_18 = arith.mulf %sub3A_16, %mul3A_17 : vector<1000x128xf32>
    %get3A_19 = arith.constant 0 : index
    %get3A_20 = arith.constant 0 : index
    %get3A_21 = vector.load %arg3[%get3A_19, %get3A_20] : memref<1x128xf32, #tpu.memory_space<vmem>>, vector<1x128xf32>
    %mul3A_22 = vector.broadcast %get3A_21 : vector<1x128xf32> to vector<1000x128xf32>
    %mul3A_23 = arith.mulf %mul3A_18, %mul3A_22 : vector<1000x128xf32>
    %get3A_24 = arith.constant 0 : index
    %get3A_25 = arith.constant 0 : index
    %get3A_26 = vector.load %arg4[%get3A_24, %get3A_25] : memref<1x128xf32, #tpu.memory_space<vmem>>, vector<1x128xf32>
    %add3A_27 = vector.broadcast %get3A_26 : vector<1x128xf32> to vector<1000x128xf32>
    %add3A_28 = arith.addf %mul3A_23, %add3A_27 : vector<1000x128xf32>
    %swap3A = arith.constant 0 : index
    %swap3A_29 = arith.constant 0 : index
    %swap3A_30 = vector.load %arg5[%swap3A, %swap3A_29] : memref<1000x128xf32, #tpu.memory_space<vmem>>, vector<1000x128xf32>
    tpu.vector_store %arg5[%swap3A, %swap3A_29], %add3A_28 {strides = array<i32>} : memref<1000x128xf32, #tpu.memory_space<vmem>>, vector<1000x128xf32>,
    return
  }
  func.func @transform_0(%arg0: i32) -> (i32, i32) {
    %c0_i32 = arith.constant 0 : i32
    %c0_i32_0 = arith.constant 0 : i32
    return %arg0, %c0_i32 : i32, i32
  }
  func.func @transform_1(%arg0: i32) -> (i32, i32) {
    %c0_i32 = arith.constant 0 : i32
    %c0_i32_0 = arith.constant 0 : i32
    %c0_i32_1 = arith.constant 0 : i32
    return %c0_i32, %c0_i32_0 : i32, i32
  }
  func.func @transform_2(%arg0: i32) -> (i32, i32) {
    %c0_i32 = arith.constant 0 : i32
    %c0_i32_0 = arith.constant 0 : i32
    %c0_i32_1 = arith.constant 0 : i32
    return %c0_i32, %c0_i32_0 : i32, i32
  }
  func.func @transform_3(%arg0: i32) -> (i32, i32) {
    %c0_i32 = arith.constant 0 : i32
    %c0_i32_0 = arith.constant 0 : i32
    %c0_i32_1 = arith.constant 0 : i32
    return %c0_i32, %c0_i32_0 : i32, i32
  }
  func.func @transform_4(%arg0: i32) -> (i32, i32) {
    %c0_i32 = arith.constant 0 : i32
    %c0_i32_0 = arith.constant 0 : i32
    return %arg0, %c0_i32 : i32, i32
  }
}

</mosaic_0001>

<sc_bundles>
// kernel: kernel.10.cloned.1.call-start
scs
__scs_entry_jumppad:
0x0: {  	(pc) =	sbr.rel $0x88, $3  }
0x1: {  	(tag) =	ssettag $0x0;
	lr =	simm.s32 $0x1  }
0x2: {  	[smem:$0x3F9B] =	sst lr;
	_ =	strace $0xD0000000  }
0x3: {  	_ = 	snop  }
0x4: {  	_ = 	snop  }
0x5: {  	_ = 	snop  }
0x6: {  	_ = 	snop  }
0x7: {  	_ = 	snop  }
__scs_overlays_trampoline_lowered:
0x8: {  	[smem:$0x3FAA] =	sst s0  }
0x9: {  	[smem:$0x3FAB] =	sst s1  }
0xa: {  	[smem:$0x3FAC] =	sst s2  }
0xb: {  	[smem:$0x3FAD] =	sst s3  }
0xc: {  	[smem:$0x3FAE] =	sst s4  }
0xd: {  	[smem:$0x3FAF] =	sst s5  }
0xe: {  	[smem:$0x3FB0] =	sst s6  }
0xf: {  	[smem:$0x3FB1] =	sst s7  }
0x10: {  	[smem:$0x3FB2] =	sst s8  }
0x11: {  	[smem:$0x3FB3] =	sst s9;
	s0 =	simm.s32 @!p0 $0x0  }
0x12: {  	s1 =	sld [smem:$0x3F99];
	s0 =	simm.s32 @p0 $0x1  }
0x13: {  	[smem:$0x3FB4] =	sst s0;
	s0 =	simm.s32 @!p1 $0x0  }
0x14: {  	s2 =	sld [smem:$0x3F98];
	s0 =	simm.s32 @p1 $0x1  }
0x15: {  	[smem:$0x3FB5] =	sst s0;
	s0 =	simm.s32 @!p2 $0x0  }
0x16: {  	s3 =	sld [smem:$0x3FDB];
	s0 =	simm.s32 @p2 $0x1  }
0x17: {  	s4 =	simm.s32 $0x1BF5;
	[smem:$0x3FB7] =	sst s0  }
0x18: {  	s0 =	sld [smem:$0x3F9A];
	_ =	swait.ge [sflag:s4], $0x0  }
0x19: {  	s7 =	sld [smem:$0x3F9B]  }
0x1a: {  	s8 =	sadd.s32 $0xFFFFE003, lr  }
0x1b: {  	s9 =	sadd.s32 $0xFFFFFEF7, lr;
	s5 =	simm.s32 $0xFFFFFFFF;
	p2 =	slt.u32 s8, $0xFFFFF086  }
0x1c: {  	p1 =	slt.u32 s9, $0xF7A;
	s5 =	simm.s32 @!p2 $0x0  }
0x1d: {  	s5 =	simm.s32 @p1 $0x1;
	p0 =	seq.s32 s7, s2  }
0x1e: {  	s7 =	smul.u32 @!p0 $0xF7A, s2;
	p2 =	seq.s32 @!p0 s5, $0x0  }
0x1f: {  	s9 =	smul.u32 $0xF7A, s1;
	s8 =	simm.s32 @!p0 $0x1BF5;
	p2 =	por !p2, p0  }
0x20: {  	[sflag:s8] =	ssyncset.s32 @!p0 $0xFFFFF086;
	s6 =	sadd.s32 @!p0 s3, s7;
	s7 =	simm.s32 @!p0 $0x108  }
0x21: {  	s3 =	sadd.s32 s3, s9;
	s6 =	sadd.s32 @!p0 $0x88, s6;
	s7 =	simm.s32 @p2 $0x1082  }
0x22: {  	[simem:s7], [sflag:s8] =	dma.local @!p0 [hbm:s6], $0xF7A  }
0x23: {  	s9 =	sor.u32 $0xD0000000, s2;
	s6 =	simm.s32 $0x108;
	_ =	swait.ge @!p0 [sflag:s8], $0x0  }
0x24: {  	s3 =	sadd.s32 $0x88, s3;
	s6 =	simm.s32 @!p1 $0x1082;
	[sflag:s4] =	ssyncset.s32 $0xFFFFF086  }
0x25: {  	[simem:s6], [sflag:s4] =	dma.local [hbm:s3], $0xF7A  }
0x26: {  	[smem:$0x3F9B] =	sst s1;
	(tag) =	ssettag s2;
	_ =	strace s9  }
0x27: {  	s1 =	sld [smem:$0x3FAB]  }
0x28: {  	s2 =	sld [smem:$0x3FAC]  }
0x29: {  	s4 =	sld [smem:$0x3FAE]  }
0x2a: {  	p0 =	seq.s32 s5, $0x0;
	s5 =	sld [smem:$0x3FAF]  }
0x2b: {  	s6 =	sld [smem:$0x3FB0]  }
0x2c: {  	s7 =	sld [smem:$0x3FB1]  }
0x2d: {  	s3 =	simm.s32 $0x108;
	s8 =	sld [smem:$0x3FB2]  }
0x2e: {  	s3 =	simm.s32 @!p0 $0x1082;
	s9 =	sld [smem:$0x3FB3]  }
0x2f: {  	lr =	sadd.s32 s0, s3;
	s0 =	sld [smem:$0x3FAA]  }
0x30: {  	s3 =	sld [smem:$0x3FAD]  }
0x31: {  	[smem:$0x3FB6] =	sst s10  }
0x32: {  	s10 =	sld [smem:$0x3FB4];
	_ =	sdelay $0x3  }
0x33: {  	p0 =	seq.s32 s10, $0x1;
	s10 =	sld [smem:$0x3FB6];
	_ =	sdelay $0x3  }
0x34: {  	[smem:$0x3FB6] =	sst s10  }
0x35: {  	s10 =	sld [smem:$0x3FB5];
	_ =	sdelay $0x3  }
0x36: {  	p1 =	seq.s32 s10, $0x1;
	s10 =	sld [smem:$0x3FB6];
	_ =	sdelay $0x3  }
0x37: {  	[smem:$0x3FB6] =	sst s10  }
0x38: {  	s10 =	sld [smem:$0x3FB7]  }
0x39: {  	_ = 	snop;
	(pc) =	sbr.ind lr, $3  }
0x3a: {  	_ = 	snop  }
0x3b: {  	_ = 	snop  }
0x3c: {  	p2 =	seq.s32 s10, $0x1;
	s10 =	sld [smem:$0x3FB6]  }
0x3d: {  	_ =	shalt  }
0x3e: {  	_ =	shalt  }
0x3f: {  	_ =	shalt  }
0x40: {  	_ =	shalt  }
0x41: {  	_ =	shalt  }
0x42: {  	_ =	shalt  }
0x43: {  	_ =	shalt  }
0x44: {  	_ =	shalt  }
0x45: {  	_ =	shalt  }
0x46: {  	_ =	shalt  }
0x47: {  	_ =	shalt  }
0x48: {  	_ =	shalt  }
0x49: {  	_ =	shalt  }
0x4a: {  	_ =	shalt  }
0x4b: {  	_ =	shalt  }
0x4c: {  	_ =	shalt  }
0x4d: {  	_ =	shalt  }
0x4e: {  	_ =	shalt  }
0x4f: {  	_ =	shalt  }
0x50: {  	_ =	shalt  }
0x51: {  	_ =	shalt  }
0x52: {  	_ =	shalt  }
0x53: {  	_ =	shalt  }
0x54: {  	_ =	shalt  }
0x55: {  	_ =	shalt  }
0x56: {  	_ =	shalt  }
0x57: {  	_ =	shalt  }
0x58: {  	_ =	shalt  }
0x59: {  	_ =	shalt  }
0x5a: {  	_ =	shalt  }
0x5b: {  	_ =	shalt  }
0x5c: {  	_ =	shalt  }
0x5d: {  	_ =	shalt  }
0x5e: {  	_ =	shalt  }
0x5f: {  	_ =	shalt  }
0x60: {  	_ =	shalt  }
0x61: {  	_ =	shalt  }
0x62: {  	_ =	shalt  }
0x63: {  	_ =	shalt  }
0x64: {  	_ =	shalt  }
0x65: {  	_ =	shalt  }
0x66: {  	_ =	shalt  }
0x67: {  	_ =	shalt  }
0x68: {  	_ =	shalt  }
0x69: {  	_ =	shalt  }
0x6a: {  	_ =	shalt  }
0x6b: {  	_ =	shalt  }
0x6c: {  	_ =	shalt  }
0x6d: {  	_ =	shalt  }
0x6e: {  	_ =	shalt  }
0x6f: {  	_ =	shalt  }
0x70: {  	_ =	shalt  }
0x71: {  	_ =	shalt  }
0x72: {  	_ =	shalt  }
0x73: {  	_ =	shalt  }
0x74: {  	_ =	shalt  }
0x75: {  	_ =	shalt  }
0x76: {  	_ =	shalt  }
0x77: {  	_ =	shalt  }
0x78: {  	_ =	shalt  }
0x79: {  	_ =	shalt  }
0x7a: {  	_ =	shalt  }
0x7b: {  	_ =	shalt  }
0x7c: {  	_ =	shalt  }
0x7d: {  	_ =	shalt  }
0x7e: {  	_ =	shalt  }
0x7f: {  	_ =	shalt  }
0x80: {  	_ =	shalt  }
0x81: {  	_ =	shalt  }
0x82: {  	_ =	shalt  }
0x83: {  	_ =	shalt  }
0x84: {  	_ =	shalt  }
0x85: {  	_ =	shalt  }
0x86: {  	_ =	shalt  }
0x87: {  	_ =	shalt  }
.Lfunc_end0:
.L_simem_size_0:
called_computation.1_lowered:
.L_overlay_start_0:
0x88: {  	s2 =	sld [smem:$0x3FD9]  }
0x89: {  	s3 =	sld [smem:$0x3FFE];
	_ =	sdelay $0x1  }
0x8a: {  	s1 =	srdreg.scid  }
0x8b: {  	s0 =	sand.u32 $0x1, s1  }
0x8c: {  	s17 =	sshll.u32 s0, $0xA;
	s2 =	sadd.s32 s3, s2  }
0x8d: {  	s2 =	sadd.s32 s2, s17  }
0x8e: {  	[smem:$0x3FC2] =	sst s2  }
0x8f: {  	_ = 	snop  }
0x90: {  	s2 =	sld [smem:$0x3FD0];
	(tm) =	ssettm $0x1  }
0x91: {  	s18 =	sld [smem:$0x3FFB];
	_ =	sdelay $0x3  }
0x92: {  	_ =	strace s18  }
0x93: {  	s3 =	sld [smem:$0x3FFC];
	_ =	sdelay $0x3  }
0x94: {  	_ =	strace s3  }
0x95: {  	s3 =	sld [smem:$0x3FFD];
	_ =	sdelay $0x3  }
0x96: {  	_ =	strace s3  }
0x97: {  	_ =	strace $0x8FFFFFFF  }
0x98: {  	s19 =	sld [smem:$0x3FDB];
	_ =	sdelay $0x1  }
0x99: {  	s4 =	simm.s32 $_scs_section_size  }
0x9a: {  	s5 =	simm.s32 $_size__tile_overlayer_lowered;
	s6 =	simm.s32 $_tile_overlayer_lowered  }
0x9b: {  	s22 =	simm.s32 $0x1BFF;
	s21 =	sshll.u32 s6, $0x1;
	s3 =	sadd.s32 s4, s19  }
0x9c: {  	s7 =	simm.s32 $0x0;
	s20 =	sshll.u32 s5, $0x1;
	s5 =	sadd.s32 s21, s3  }
0x9d: {  	[timem:s7], [sflag:s22] =	dma.local [hbm:s5], s20  }
0x9e: {  	_ =	swait.ge [sflag:s22], s20  }
0x9f: {  	s4 =	ssub.s32 $0x0, s20;
	[sflag:s22] =	ssyncset.done $0x0  }
0xa0: {  	[sflag:s22] =	ssyncadd.s32 s4;
	_ =	sdelay $0x1  }
0xa1: {  	s23 =	simm.s32 $0x1B8B  }
0xa2: {  	_ =	swait.ge [sflag:s23], $0x1  }
0xa3: {  	[sflag:s23] =	ssyncset.done $0x0  }
0xa4: {  	s25 =	simm.s32 $0x1B8E;
	s24 =	sld [smem:$0x3FFE];
	[sflag:s23] =	ssyncadd.s32 $0xFFFFFFFF  }
0xa5: {  	s26 =	simm.s32 $execute0_lowered;
	[smem:$0x3FD2] =	sst s25  }
0xa6: {  	s5 =	sshll.u32 s26, $0x1;
	_ =	strace $0x80000049;
	[dreg:$0x1] =	wrdreg $0xFFFFFFFF  }
0xa7: {  	s28 =	simm.s32 $_size_execute0_lowered;
	s3 =	sadd.s32 s3, s5;
	[dreg:$0x0] =	wrdreg $0x0  }
0xa8: {  	s5 =	sshll.u32 s28, $0x1;
	[dreg:$0x2] =	wrdreg s3  }
0xa9: {  	[dreg:$0x3] =	wrdreg s5  }
0xaa: {  	[dreg:$0x4] =	wrdreg $0xC0  }
0xab: {  	_ =	task [dreg:s7], $0x5FFFF  }
0xac: {  	[dreg:$0x1] =	wrdreg $0xFFFFFFFF  }
0xad: {  	[dreg:$0x0] =	wrdreg $0x60  }
0xae: {  	[dreg:$0x2] =	wrdreg s2  }
0xaf: {  	[dreg:$0x3] =	wrdreg s24  }
0xb0: {  	[dreg:$0x4] =	wrdreg $0xA8000  }
0xb1: {  	[dreg:$0x5] =	wrdreg $0x9  }
0xb2: {  	_ =	task.clear_ibuf [dreg:s7], $0x6FFFF;
	_ =	strace $0x90000049  }
0xb3: {  	s29 =	simm.s32 $0x9;
	_ =	strace $0x8000004B  }
0xb4: {  	_ =	swait.ge [sflag:s29], $0x1  }
0xb5: {  	[sflag:s29] =	ssyncadd.s32 $0xFFFFFFFF  }
0xb6: {  	_ =	strace $0x9000004B  }
0xb7: {  	_ =	sfence  }
0xb8: {  	s30 =	sld [smem:$0x0];
	_ =	sdelay $0x2  }
0xb9: {  	s31 =	sshll.u32 s1, $0xD;
	s1 =	sshrl.u32 s1, $0x2  }
0xba: {  	s3 =	sand.u32 $0x4000, s31;
	s1 =	sadd.s32 s1, s30  }
0xbb: {  	s0 =	sor.u32 s3, s0;
	s1 =	sshll.u32 s1, $0x11  }
0xbc: {  	s0 =	sor.u32 s1, s0  }
0xbd: {  	s0 =	sadd.s32 $0x8F2B, s0  }
0xbe: {  	[sflag:s0] =	ssyncadd.remote.s32 $0x1  }
0xbf: {  	_ =	sfence.sel $0xFFFF  }
0xc0: {  	[dreg:$0x0] =	wrdreg $0xFFFFFFFF;
	(pc) =	sbr.abs _section_cstart, $3  }
0xc1: {  	[dreg:$0x1] =	wrdreg $0xFFFFFFFF  }
0xc2: {  	_ =	task.clear_ibuf [dreg:s7], $0x2FFFF;
	_ =	strace $0x9FFFFFFF  }
0xc3: {  	(tm) =	ssettm $0x7FFFFFFF  }
tec
execute0_lowered:
.L_overlay_start_1:
0x0: {  	(tag) =	ssettag $0x1  }
0x1: {  	s1 =	rddreg [dreg:$0x0]  }
0x2: {  	s7 =	rddreg [dreg:$0x1]  }
0x3: {  	s2 =	rddreg [dreg:$0x2]  }
0x4: {  	s0 =	rddreg [dreg:$0x3]  }
0x5: {  	s4 =	simm.s32 $0x0;
	s3 =	srdreg.scid;
	s19 =	simm.s32 $0x6800  }
0x6: {  	s20 =	simm.s32 $0x1;
	s21 =	simm.s32 $0x2;
	s22 =	simm.s32 $0x1380  }
0x7: {  	s23 =	simm.s32 $0x2700;
	[smem:$0x7FF] =	sst s4;
	s8 =	sand.u32 $0x1, s3  }
0x8: {  	s3 =	stileid.u32;
	s11 =	sadd.s32 $0xC400, s7;
	s12 =	sadd.s32 $0x2600, s7  }
0x9: {  	s5 =	sadd.s32 $0x16600, s7;
	s16 =	sadd.s32 $0x16200, s7;
	s9 =	smul.u32 $0x140000, s8  }
0xa: {  	s6 =	sadd.s32 $0x66A00, s7;
	_ =	strace $0x8000004A;
	s10 =	smul.u32 $0x14000, s3  }
0xb: {  	s24 =	ssub.s32 $0x2, s8;
	s13 =	sshll.u32 s3, $0x1;
	s25 =	smul.u32 $0x50000, s3  }
0xc: {  	s30 =	sshll.u32 s3, $0x6;
	s14 =	sshrl.u32 s24, $0x1;
	s15 =	sor.u32 s8, s13  }
0xd: {  	s9 =	sadd.s32 s10, s9;
	s14 =	ssub.s32 s24, s14;
	s28 =	smul.u32 $0x2800, s15  }
0xe: {  	s29 =	sshrl.u32 s25, $0x2;
	s31 =	smul.u32 $0x500, s15;
	p0 =	seq.s32 s15, $0x1F  }
0xf: {  	s15 =	simm.s32 $0x3;
	s24 =	simm.s32 $0x2780;
	s25 =	simm.s32 $0x0  }
0x10: {  	s9 =	sshrl.u32 s9, $0x3;
	s17 =	sadd.s32 s29, s2;
	s13 =	smax.u32 s14, $0x1  }
.Ltmp0:
0x11: {  	s26 =	sadd.s32 s9, s7;
	s7 =	sor.u32 $0x1C03, s30;
	(pc) =	sbr.rel .LBB2_1-.Ltmp0, $4  }
0x12: {  	s18 =	sshrl.u32 s28, $0x3;
	s8 =	sadd.s32 s11, s31;
	s9 =	sadd.s32 s12, s31  }
0x13: {  	s14 =	sshrl.u32 s17, $0x3;
	s17 =	simm.s32 $0x80;
	s18 =	sadd.s32 $0x280, s18  }
0x14: {  	s9 =	smov.u32 @p0 s16;
	s16 =	simm.s32 $0x1400;
	s10 =	sadd.s32 s11, s18  }
0x15: {  	s11 =	sadd.s32 s12, s18;
	s12 =	sadd.s32 $0x69200, s26;
	s18 =	simm.s32 $0x2800  }
.LBB2_6:
0x16: {  	s28 =	sadd.s32 $0x80, s26;
	[sflag:s15] =	ssyncadd.s32 $0xFFFFC000  }
0x17: {  	[tilespmem:s19], [sflag:$0x2] =	stream.indirect.gather [hbm4b:s1+s17], $0x80, s28, s17, $0xb8;
	[tilespmem:$0x1E800] =	vst v63  }
0x18: {  	_ =	swait.ge [sflag:s20], $0x4000  }
0x19: {  	[sflag:s20] =	ssyncset.done $0x0  }
0x1a: {  	s29 =	sadd.s32 $0x1400, s26;
	[sflag:s20] =	ssyncadd.s32 $0xFFFFC000  }
0x1b: {  	[spmem:s2] =	stream.indirect.scatter.add.f32 [tilespmem:s18], [sflag:$0x3], $0x80, s29, s17, $0xb8;
	[tilespmem:$0x1E800] =	vst v63  }
0x1c: {  	_ =	swait.ge [sflag:s15], $0x4000  }
0x1d: {  	[sflag:s15] =	ssyncset.done $0x0  }
0x1e: {  	s30 =	sadd.s32 $0x100, s26;
	[sflag:s15] =	ssyncadd.s32 $0xFFFFC000  }
0x1f: {  	[tilespmem:s18], [sflag:$0x1] =	stream.indirect.gather [hbm4b:s1+s17], $0x80, s30, s17, $0xb8;
	[tilespmem:$0x1E800] =	vst v63  }
0x20: {  	_ =	swait.ge [sflag:s21], $0x4000  }
0x21: {  	[sflag:s21] =	ssyncset.done $0x0  }
0x22: {  	s31 =	sadd.s32 $0x1480, s26;
	[sflag:s21] =	ssyncadd.s32 $0xFFFFC000  }
0x23: {  	[spmem:s2] =	stream.indirect.scatter.add.f32 [tilespmem:s19], [sflag:$0x3], $0x80, s31, s17, $0xb8;
	[tilespmem:$0x1E800] =	vst v63  }
0x24: {  	_ =	swait.ge [sflag:s15], $0x4000  }
0x25: {  	[sflag:s15] =	ssyncset.done $0x0  }
0x26: {  	[sflag:s15] =	ssyncadd.s32 $0xFFFFC000  }
0x27: {  	[tilespmem:s19], [sflag:$0x2] =	stream.indirect.gather [hbm4b:s1+s17], $0x80, s22, s17, $0xb8;
	[tilespmem:$0x1E800] =	vst v63  }
0x28: {  	_ =	swait.ge [sflag:s20], $0x4000  }
0x29: {  	[sflag:s20] =	ssyncset.done $0x0  }
0x2a: {  	[sflag:s20] =	ssyncadd.s32 $0xFFFFC000  }
0x2b: {  	[spmem:s2] =	stream.indirect.scatter.add.f32 [tilespmem:s18], [sflag:$0x3], $0x80, s23, s17, $0xb8;
	[tilespmem:$0x1E800] =	vst v63  }
0x2c: {  	_ =	swait.ge [sflag:s15], $0x4000  }
0x2d: {  	[sflag:s15] =	ssyncset.done $0x0  }
0x2e: {  	[sflag:s15] =	ssyncadd.s32 $0xFFFFC000  }
0x2f: {  	_ =	swait.ge [sflag:s21], $0x4000  }
0x30: {  	[sflag:s21] =	ssyncset.done $0x0  }
0x31: {  	[sflag:s21] =	ssyncadd.s32 $0xFFFFC000  }
0x32: {  	[spmem:s2] =	stream.indirect.scatter.add.f32 [tilespmem:s19], [sflag:$0x3], $0x80, s24, s17, $0xb8;
	[tilespmem:$0x1E800] =	vst v63  }
0x33: {  	_ =	swait.ge [sflag:s15], $0x4000  }
0x34: {  	[sflag:s15] =	ssyncset.done $0x0  }
0x35: {  	[sflag:s15] =	ssyncadd.s32 $0xFFFFC000  }
.LBB2_7:
0x36: {  	s25 =	sadd.s32 $0x1, s25  }
0x37: {  	p1 =	sne.s32 s25, s13  }
.Ltmp1:
0x38: {  	[bflag:$0x0] =	sbarrier.arrive $0xFFFF;
	(pc) =	sbr.rel @!p1 .LBB2_8-.Ltmp1, $4  }
0x39: {  	[hbm:s12], [sflag:s7] =	dma.local [spmem:s14], $0x2800  }
0x3a: {  	_ =	swait.ge [sflag:s15], $0x2800  }
0x3b: {  	[sflag:s15] =	ssyncset.done $0x0  }
0x3c: {  	[sflag:s15] =	ssyncadd.s32 $0xFFFFD800  }
.LBB2_1:
0x3d: {  	[spmem:s14], [sflag:s7] =	dma.local [hbm:s6], $0x2800  }
0x3e: {  	_ =	swait.ge [sflag:s15], $0x2800  }
0x3f: {  	[sflag:s15] =	ssyncset.done $0x0  }
0x40: {  	[sflag:s15] =	ssyncadd.s32 $0xFFFFD800  }
0x41: {  	s26 =	simm.s32 @p0 $0x0;
	[bflag:$0x0] =	sbarrier.arrive $0xFFFF  }
0x42: {  	[tilespmem:s26], [sflag:$0x3] =	stream.linear.gather @p0 [hbm4b:s5+s26], $0x1400, $0x38;
	[tilespmem:$0x1E800] =	vst v63  }
0x43: {  	s26 =	simm.s32 @p0 $0x3  }
0x44: {  	_ =	swait.ge @p0 [sflag:s26], $0x1400  }
0x45: {  	[sflag:s26] =	ssyncset.done @p0 $0x0  }
0x46: {  	[sflag:s26] =	ssyncadd.s32 @p0 $0xFFFFEC00;
	s26 =	simm.s32 @!p0 $0x0  }
0x47: {  	[tilespmem:s26], [sflag:$0x3] =	stream.linear.gather @!p0 [hbm4b:s8+s26], $0x1400, $0x38;
	[tilespmem:$0x1E800] =	vst v63  }
0x48: {  	s26 =	simm.s32 @!p0 $0x3  }
0x49: {  	_ =	swait.ge @!p0 [sflag:s26], $0x1400  }
0x4a: {  	[sflag:s26] =	ssyncset.done @!p0 $0x0  }
0x4b: {  	[sflag:s26] =	ssyncadd.s32 @!p0 $0xFFFFEC00  }
0x4c: {  	[tilespmem:s16], [sflag:$0x3] =	stream.linear.gather [hbm4b:s9+s4], $0x1400, $0x38;
	[tilespmem:$0x1E800] =	vst v63  }
0x4d: {  	_ =	swait.ge [sflag:s15], $0x1400  }
0x4e: {  	[sflag:s15] =	ssyncset.done $0x0  }
0x4f: {  	[sflag:s15] =	ssyncadd.s32 $0xFFFFEC00  }
0x50: {  	[tilespmem:s18], [sflag:$0x1] =	stream.indirect.gather [hbm4b:s1+s17], $0x80, s4, s17, $0xb8;
	[tilespmem:$0x1E800] =	vst v63  }
0x51: {  	s31 =	simm.s32 $0x80  }
0x52: {  	[tilespmem:s19], [sflag:$0x2] =	stream.indirect.gather [hbm4b:s1+s17], $0x80, s31, s17, $0xb8;
	[tilespmem:$0x1E800] =	vst v63  }
0x53: {  	_ =	swait.ge [sflag:s20], $0x4000  }
0x54: {  	[sflag:s20] =	ssyncset.done $0x0  }
0x55: {  	s29 =	simm.s32 $0x1400;
	[sflag:s20] =	ssyncadd.s32 $0xFFFFC000  }
0x56: {  	[spmem:s2] =	stream.indirect.scatter.add.f32 [tilespmem:s18], [sflag:$0x3], $0x80, s29, s17, $0xb8;
	[tilespmem:$0x1E800] =	vst v63  }
0x57: {  	_ =	swait.ge [sflag:s15], $0x4000  }
0x58: {  	[sflag:s15] =	ssyncset.done $0x0  }
0x59: {  	s30 =	simm.s32 $0x100;
	[sflag:s15] =	ssyncadd.s32 $0xFFFFC000  }
0x5a: {  	[tilespmem:s18], [sflag:$0x1] =	stream.indirect.gather [hbm4b:s1+s17], $0x80, s30, s17, $0xb8;
	[tilespmem:$0x1E800] =	vst v63  }
0x5b: {  	_ =	swait.ge [sflag:s21], $0x4000  }
0x5c: {  	[sflag:s21] =	ssyncset.done $0x0  }
0x5d: {  	s31 =	simm.s32 $0x1480;
	[sflag:s21] =	ssyncadd.s32 $0xFFFFC000  }
0x5e: {  	[spmem:s2] =	stream.indirect.scatter.add.f32 [tilespmem:s19], [sflag:$0x3], $0x80, s31, s17, $0xb8;
	[tilespmem:$0x1E800] =	vst v63  }
0x5f: {  	_ =	swait.ge [sflag:s15], $0x4000  }
0x60: {  	s28 =	simm.s32 $0x800;
	s26 =	simm.s32 $0x100;
	[sflag:s15] =	ssyncset.done $0x0  }
.LBB2_2:
0x61: {  	s29 =	sadd.s32 $0x80, s26  }
0x62: {  	[sflag:s15] =	ssyncadd.s32 $0xFFFFC000;
	s30 =	smov.u32 s28;
	s31 =	sadd.s32 $0x400, s28  }
0x63: {  	[tilespmem:s19], [sflag:$0x2] =	stream.indirect.gather [hbm4b:s1+s17], $0x80, s29, s17, $0xb8;
	[tilespmem:$0x1E800] =	vst v63  }
0x64: {  	p1 =	sne.s32 s28, $0x4800;
	_ =	swait.ge [sflag:s20], $0x4000  }
0x65: {  	[sflag:s20] =	ssyncset.done $0x0  }
0x66: {  	s28 =	sadd.s32 $0x1400, s26;
	[sflag:s20] =	ssyncadd.s32 $0xFFFFC000  }
0x67: {  	[spmem:s2] =	stream.indirect.scatter.add.f32 [tilespmem:s18], [sflag:$0x3], $0x80, s28, s17, $0xb8;
	[tilespmem:$0x1E800] =	vst v63  }
0x68: {  	_ =	swait.ge [sflag:s15], $0x4000  }
0x69: {  	[sflag:s15] =	ssyncset.done $0x0  }
0x6a: {  	s28 =	sadd.s32 $0x100, s26;
	[sflag:s15] =	ssyncadd.s32 $0xFFFFC000  }
0x6b: {  	[tilespmem:s18], [sflag:$0x1] =	stream.indirect.gather [hbm4b:s1+s17], $0x80, s28, s17, $0xb8;
	[tilespmem:$0x1E800] =	vst v63  }
0x6c: {  	_ =	swait.ge [sflag:s21], $0x4000  }
.Ltmp2:
0x6d: {  	[sflag:s21] =	ssyncset.done $0x0;
	(pc) =	sbr.rel @p1 .LBB2_2-.Ltmp2, $4  }
0x6e: {  	s26 =	sadd.s32 $0x1480, s26;
	[sflag:s21] =	ssyncadd.s32 $0xFFFFC000  }
0x6f: {  	[spmem:s2] =	stream.indirect.scatter.add.f32 [tilespmem:s19], [sflag:$0x3], $0x80, s26, s17, $0xb8;
	[tilespmem:$0x1E800] =	vst v63  }
0x70: {  	_ =	swait.ge [sflag:s15], $0x4000  }
0x71: {  	s28 =	smov.u32 s31;
	s26 =	sshra.s32 s30, $0x2;
	[sflag:s15] =	ssyncset.done $0x0  }
0x72: {  	s28 =	sadd.s32 $0x80, s26;
	[sflag:s15] =	ssyncadd.s32 $0xFFFFC000  }
0x73: {  	[tilespmem:s19], [sflag:$0x2] =	stream.indirect.gather [hbm4b:s1+s17], $0x80, s28, s17, $0xb8;
	[tilespmem:$0x1E800] =	vst v63  }
0x74: {  	_ =	swait.ge [sflag:s20], $0x4000  }
0x75: {  	[sflag:s20] =	ssyncset.done $0x0  }
0x76: {  	s29 =	sadd.s32 $0x1400, s26;
	[sflag:s20] =	ssyncadd.s32 $0xFFFFC000  }
0x77: {  	[spmem:s2] =	stream.indirect.scatter.add.f32 [tilespmem:s18], [sflag:$0x3], $0x80, s29, s17, $0xb8;
	[tilespmem:$0x1E800] =	vst v63  }
0x78: {  	_ =	swait.ge [sflag:s15], $0x4000  }
0x79: {  	[sflag:s15] =	ssyncset.done $0x0  }
0x7a: {  	s30 =	sadd.s32 $0x100, s26;
	[sflag:s15] =	ssyncadd.s32 $0xFFFFC000  }
0x7b: {  	[tilespmem:s18], [sflag:$0x1] =	stream.indirect.gather [hbm4b:s1+s17], $0x80, s30, s17, $0xb8;
	[tilespmem:$0x1E800] =	vst v63  }
0x7c: {  	_ =	swait.ge [sflag:s21], $0x4000  }
0x7d: {  	[sflag:s21] =	ssyncset.done $0x0  }
0x7e: {  	s31 =	sadd.s32 $0x1480, s26;
	[sflag:s21] =	ssyncadd.s32 $0xFFFFC000  }
0x7f: {  	[spmem:s2] =	stream.indirect.scatter.add.f32 [tilespmem:s19], [sflag:$0x3], $0x80, s31, s17, $0xb8;
	[tilespmem:$0x1E800] =	vst v63  }
0x80: {  	_ =	swait.ge [sflag:s15], $0x4000  }
0x81: {  	[sflag:s15] =	ssyncset.done $0x0  }
0x82: {  	[sflag:s15] =	ssyncadd.s32 $0xFFFFC000  }
0x83: {  	[tilespmem:s19], [sflag:$0x2] =	stream.indirect.gather [hbm4b:s1+s17], $0x80, s22, s17, $0xb8;
	[tilespmem:$0x1E800] =	vst v63  }
0x84: {  	_ =	swait.ge [sflag:s20], $0x4000  }
0x85: {  	[sflag:s20] =	ssyncset.done $0x0  }
0x86: {  	[sflag:s20] =	ssyncadd.s32 $0xFFFFC000  }
0x87: {  	[spmem:s2] =	stream.indirect.scatter.add.f32 [tilespmem:s18], [sflag:$0x3], $0x80, s23, s17, $0xb8;
	[tilespmem:$0x1E800] =	vst v63  }
0x88: {  	_ =	swait.ge [sflag:s15], $0x4000  }
0x89: {  	[sflag:s15] =	ssyncset.done $0x0  }
0x8a: {  	[sflag:s15] =	ssyncadd.s32 $0xFFFFC000  }
0x8b: {  	_ =	swait.ge [sflag:s21], $0x4000  }
0x8c: {  	[sflag:s21] =	ssyncset.done $0x0  }
.Ltmp3:
0x8d: {  	[sflag:s21] =	ssyncadd.s32 $0xFFFFC000;
	(pc) =	sbr.rel @p0 .LBB2_7-.Ltmp3, $4  }
0x8e: {  	[spmem:s2] =	stream.indirect.scatter.add.f32 [tilespmem:s19], [sflag:$0x3], $0x80, s24, s17, $0xb8;
	[tilespmem:$0x1E800] =	vst v63  }
0x8f: {  	_ =	swait.ge [sflag:s15], $0x4000  }
0x90: {  	[sflag:s15] =	ssyncset.done $0x0  }
0x91: {  	[sflag:s15] =	ssyncadd.s32 $0xFFFFC000  }
0x92: {  	s26 =	simm.s32 $0x0  }
0x93: {  	[tilespmem:s26], [sflag:$0x3] =	stream.linear.gather [hbm4b:s10+s26], $0x1400, $0x38;
	[tilespmem:$0x1E800] =	vst v63  }
0x94: {  	_ =	swait.ge [sflag:s15], $0x1400  }
0x95: {  	[sflag:s15] =	ssyncset.done $0x0  }
0x96: {  	[sflag:s15] =	ssyncadd.s32 $0xFFFFEC00  }
0x97: {  	[tilespmem:s16], [sflag:$0x3] =	stream.linear.gather [hbm4b:s11+s26], $0x1400, $0x38;
	[tilespmem:$0x1E800] =	vst v63  }
0x98: {  	_ =	swait.ge [sflag:s15], $0x1400  }
0x99: {  	[sflag:s15] =	ssyncset.done $0x0  }
0x9a: {  	[sflag:s15] =	ssyncadd.s32 $0xFFFFEC00  }
0x9b: {  	[tilespmem:s18], [sflag:$0x1] =	stream.indirect.gather [hbm4b:s1+s17], $0x80, s26, s17, $0xb8;
	[tilespmem:$0x1E800] =	vst v63  }
0x9c: {  	s31 =	simm.s32 $0x80  }
0x9d: {  	[tilespmem:s19], [sflag:$0x2] =	stream.indirect.gather [hbm4b:s1+s17], $0x80, s31, s17, $0xb8;
	[tilespmem:$0x1E800] =	vst v63  }
0x9e: {  	_ =	swait.ge [sflag:s20], $0x4000  }
0x9f: {  	[sflag:s20] =	ssyncset.done $0x0  }
0xa0: {  	s29 =	simm.s32 $0x1400;
	[sflag:s20] =	ssyncadd.s32 $0xFFFFC000  }
0xa1: {  	[spmem:s2] =	stream.indirect.scatter.add.f32 [tilespmem:s18], [sflag:$0x3], $0x80, s29, s17, $0xb8;
	[tilespmem:$0x1E800] =	vst v63  }
0xa2: {  	_ =	swait.ge [sflag:s15], $0x4000  }
0xa3: {  	[sflag:s15] =	ssyncset.done $0x0  }
0xa4: {  	s30 =	simm.s32 $0x100;
	[sflag:s15] =	ssyncadd.s32 $0xFFFFC000  }
0xa5: {  	[tilespmem:s18], [sflag:$0x1] =	stream.indirect.gather [hbm4b:s1+s17], $0x80, s30, s17, $0xb8;
	[tilespmem:$0x1E800] =	vst v63  }
0xa6: {  	_ =	swait.ge [sflag:s21], $0x4000  }
0xa7: {  	[sflag:s21] =	ssyncset.done $0x0  }
0xa8: {  	s31 =	simm.s32 $0x1480;
	[sflag:s21] =	ssyncadd.s32 $0xFFFFC000  }
0xa9: {  	[spmem:s2] =	stream.indirect.scatter.add.f32 [tilespmem:s19], [sflag:$0x3], $0x80, s31, s17, $0xb8;
	[tilespmem:$0x1E800] =	vst v63  }
0xaa: {  	_ =	swait.ge [sflag:s15], $0x4000  }
0xab: {  	s28 =	simm.s32 $0x800;
	s26 =	simm.s32 $0x100;
	[sflag:s15] =	ssyncset.done $0x0  }
.LBB2_5:
0xac: {  	s29 =	sadd.s32 $0x80, s26  }
0xad: {  	[sflag:s15] =	ssyncadd.s32 $0xFFFFC000;
	s30 =	smov.u32 s28;
	s31 =	sadd.s32 $0x400, s28  }
0xae: {  	[tilespmem:s19], [sflag:$0x2] =	stream.indirect.gather [hbm4b:s1+s17], $0x80, s29, s17, $0xb8;
	[tilespmem:$0x1E800] =	vst v63  }
0xaf: {  	p1 =	sne.s32 s28, $0x4800;
	_ =	swait.ge [sflag:s20], $0x4000  }
0xb0: {  	[sflag:s20] =	ssyncset.done $0x0  }
0xb1: {  	s28 =	sadd.s32 $0x1400, s26;
	[sflag:s20] =	ssyncadd.s32 $0xFFFFC000  }
0xb2: {  	[spmem:s2] =	stream.indirect.scatter.add.f32 [tilespmem:s18], [sflag:$0x3], $0x80, s28, s17, $0xb8;
	[tilespmem:$0x1E800] =	vst v63  }
0xb3: {  	_ =	swait.ge [sflag:s15], $0x4000  }
0xb4: {  	[sflag:s15] =	ssyncset.done $0x0  }
0xb5: {  	s28 =	sadd.s32 $0x100, s26;
	[sflag:s15] =	ssyncadd.s32 $0xFFFFC000  }
0xb6: {  	[tilespmem:s18], [sflag:$0x1] =	stream.indirect.gather [hbm4b:s1+s17], $0x80, s28, s17, $0xb8;
	[tilespmem:$0x1E800] =	vst v63  }
0xb7: {  	_ =	swait.ge [sflag:s21], $0x4000  }
.Ltmp4:
0xb8: {  	[sflag:s21] =	ssyncset.done $0x0;
	(pc) =	sbr.rel @p1 .LBB2_5-.Ltmp4, $4  }
0xb9: {  	s26 =	sadd.s32 $0x1480, s26;
	[sflag:s21] =	ssyncadd.s32 $0xFFFFC000  }
0xba: {  	[spmem:s2] =	stream.indirect.scatter.add.f32 [tilespmem:s19], [sflag:$0x3], $0x80, s26, s17, $0xb8;
	[tilespmem:$0x1E800] =	vst v63  }
0xbb: {  	_ =	swait.ge [sflag:s15], $0x4000  }
0xbc: {  	s28 =	smov.u32 s31;
	s26 =	sshra.s32 s30, $0x2;
	[sflag:s15] =	ssyncset.done $0x0  }
.Ltmp5:
0xbd: {  	_ = 	snop;
	(pc) =	sbr.rel .LBB2_6-.Ltmp5, $1  }
0xbe: {  	_ =	sdelay $0x3  }
.LBB2_8:
0xbf: {  	_ =	sfence.sel $0x180000  }
0xc0: {  	[bflag:$0x0] =	sbarrier.arrive $0xFFFF  }
0xc1: {  	p0 =	sne.s32 s3, $0x0;
	_ =	strace $0x9000004A  }
0xc2: {  	s0 =	sadd.s32 @!p0 $0x100000, s0;
	[bflag:$0x2] =	sbarrier.arrive $0xFFFF  }
0xc3: {  	[sflag:s0] =	ssyncadd.tile.s32 @!p0 $0x1;
	_ =	shalt  }
.Lfunc_end2:
_tile_overlayer_lowered:
.L_overlay_start_2:
0xc4: {  	(tag) =	ssettag $0x2  }
0xc5: {  	s0 =	rddreg [dreg:$0x0];
	s2 =	stileid.u32  }
0xc6: {  	s1 =	rddreg [dreg:$0x1];
	p0 =	sne.s32 s2, $0x0  }
0xc7: {  	s3 =	rddreg [dreg:$0x2];
	[bflag:$0x3] =	sbarrier.arrive $0xFFFF;
	s2 =	simm.s32 @!p0 $0x1C03  }
0xc8: {  	[timem:s3], [sflag:s2] =	dma.local @!p0 [hbm:s0], s1  }
0xc9: {  	s0 =	simm.s32 @!p0 $0x3  }
0xca: {  	_ =	swait.ge @!p0 [sflag:s0], s1  }
0xcb: {  	s1 =	ssub.s32 @!p0 $0x0, s1;
	[sflag:s0] =	ssyncset.done @!p0 $0x0  }
0xcc: {  	[sflag:s0] =	ssyncadd.s32 @!p0 s1  }
0xcd: {  	[bflag:$0x3] =	sbarrier.arrive $0xFFFF  }
0xce: {  	_ =	shalt  }

// kernel: kernel.7.cloned.1.call-start
scs
__scs_entry_jumppad:
0x0: {  	(pc) =	sbr.rel $0x88, $3  }
0x1: {  	(tag) =	ssettag $0x0;
	lr =	simm.s32 $0x1  }
0x2: {  	[smem:$0x3F9B] =	sst lr;
	_ =	strace $0xD0000000  }
0x3: {  	_ = 	snop  }
0x4: {  	_ = 	snop  }
0x5: {  	_ = 	snop  }
0x6: {  	_ = 	snop  }
0x7: {  	_ = 	snop  }
__scs_overlays_trampoline_lowered:
0x8: {  	[smem:$0x3FAA] =	sst s0  }
0x9: {  	[smem:$0x3FAB] =	sst s1  }
0xa: {  	[smem:$0x3FAC] =	sst s2  }
0xb: {  	[smem:$0x3FAD] =	sst s3  }
0xc: {  	[smem:$0x3FAE] =	sst s4  }
0xd: {  	[smem:$0x3FAF] =	sst s5  }
0xe: {  	[smem:$0x3FB0] =	sst s6  }
0xf: {  	[smem:$0x3FB1] =	sst s7  }
0x10: {  	[smem:$0x3FB2] =	sst s8  }
0x11: {  	[smem:$0x3FB3] =	sst s9;
	s0 =	simm.s32 @!p0 $0x0  }
0x12: {  	s1 =	sld [smem:$0x3F99];
	s0 =	simm.s32 @p0 $0x1  }
0x13: {  	[smem:$0x3FB4] =	sst s0;
	s0 =	simm.s32 @!p1 $0x0  }
0x14: {  	s2 =	sld [smem:$0x3F98];
	s0 =	simm.s32 @p1 $0x1  }
0x15: {  	[smem:$0x3FB5] =	sst s0;
	s0 =	simm.s32 @!p2 $0x0  }
0x16: {  	s3 =	sld [smem:$0x3FDB];
	s0 =	simm.s32 @p2 $0x1  }
0x17: {  	s4 =	simm.s32 $0x1BF5;
	[smem:$0x3FB7] =	sst s0  }
0x18: {  	s0 =	sld [smem:$0x3F9A];
	_ =	swait.ge [sflag:s4], $0x0  }
0x19: {  	s7 =	sld [smem:$0x3F9B]  }
0x1a: {  	s8 =	sadd.s32 $0xFFFFE003, lr  }
0x1b: {  	s9 =	sadd.s32 $0xFFFFFEF7, lr;
	s5 =	simm.s32 $0xFFFFFFFF;
	p2 =	slt.u32 s8, $0xFFFFF086  }
0x1c: {  	p1 =	slt.u32 s9, $0xF7A;
	s5 =	simm.s32 @!p2 $0x0  }
0x1d: {  	s5 =	simm.s32 @p1 $0x1;
	p0 =	seq.s32 s7, s2  }
0x1e: {  	s7 =	smul.u32 @!p0 $0xF7A, s2;
	p2 =	seq.s32 @!p0 s5, $0x0  }
0x1f: {  	s9 =	smul.u32 $0xF7A, s1;
	s8 =	simm.s32 @!p0 $0x1BF5;
	p2 =	por !p2, p0  }
0x20: {  	[sflag:s8] =	ssyncset.s32 @!p0 $0xFFFFF086;
	s6 =	sadd.s32 @!p0 s3, s7;
	s7 =	simm.s32 @!p0 $0x108  }
0x21: {  	s3 =	sadd.s32 s3, s9;
	s6 =	sadd.s32 @!p0 $0x88, s6;
	s7 =	simm.s32 @p2 $0x1082  }
0x22: {  	[simem:s7], [sflag:s8] =	dma.local @!p0 [hbm:s6], $0xF7A  }
0x23: {  	s9 =	sor.u32 $0xD0000000, s2;
	s6 =	simm.s32 $0x108;
	_ =	swait.ge @!p0 [sflag:s8], $0x0  }
0x24: {  	s3 =	sadd.s32 $0x88, s3;
	s6 =	simm.s32 @!p1 $0x1082;
	[sflag:s4] =	ssyncset.s32 $0xFFFFF086  }
0x25: {  	[simem:s6], [sflag:s4] =	dma.local [hbm:s3], $0xF7A  }
0x26: {  	[smem:$0x3F9B] =	sst s1;
	(tag) =	ssettag s2;
	_ =	strace s9  }
0x27: {  	s1 =	sld [smem:$0x3FAB]  }
0x28: {  	s2 =	sld [smem:$0x3FAC]  }
0x29: {  	s4 =	sld [smem:$0x3FAE]  }
0x2a: {  	p0 =	seq.s32 s5, $0x0;
	s5 =	sld [smem:$0x3FAF]  }
0x2b: {  	s6 =	sld [smem:$0x3FB0]  }
0x2c: {  	s7 =	sld [smem:$0x3FB1]  }
0x2d: {  	s3 =	simm.s32 $0x108;
	s8 =	sld [smem:$0x3FB2]  }
0x2e: {  	s3 =	simm.s32 @!p0 $0x1082;
	s9 =	sld [smem:$0x3FB3]  }
0x2f: {  	lr =	sadd.s32 s0, s3;
	s0 =	sld [smem:$0x3FAA]  }
0x30: {  	s3 =	sld [smem:$0x3FAD]  }
0x31: {  	[smem:$0x3FB6] =	sst s10  }
0x32: {  	s10 =	sld [smem:$0x3FB4];
	_ =	sdelay $0x3  }
0x33: {  	p0 =	seq.s32 s10, $0x1;
	s10 =	sld [smem:$0x3FB6];
	_ =	sdelay $0x3  }
0x34: {  	[smem:$0x3FB6] =	sst s10  }
0x35: {  	s10 =	sld [smem:$0x3FB5];
	_ =	sdelay $0x3  }
0x36: {  	p1 =	seq.s32 s10, $0x1;
	s10 =	sld [smem:$0x3FB6];
	_ =	sdelay $0x3  }
0x37: {  	[smem:$0x3FB6] =	sst s10  }
0x38: {  	s10 =	sld [smem:$0x3FB7]  }
0x39: {  	_ = 	snop;
	(pc) =	sbr.ind lr, $3  }
0x3a: {  	_ = 	snop  }
0x3b: {  	_ = 	snop  }
0x3c: {  	p2 =	seq.s32 s10, $0x1;
	s10 =	sld [smem:$0x3FB6]  }
0x3d: {  	_ =	shalt  }
0x3e: {  	_ =	shalt  }
0x3f: {  	_ =	shalt  }
0x40: {  	_ =	shalt  }
0x41: {  	_ =	shalt  }
0x42: {  	_ =	shalt  }
0x43: {  	_ =	shalt  }
0x44: {  	_ =	shalt  }
0x45: {  	_ =	shalt  }
0x46: {  	_ =	shalt  }
0x47: {  	_ =	shalt  }
0x48: {  	_ =	shalt  }
0x49: {  	_ =	shalt  }
0x4a: {  	_ =	shalt  }
0x4b: {  	_ =	shalt  }
0x4c: {  	_ =	shalt  }
0x4d: {  	_ =	shalt  }
0x4e: {  	_ =	shalt  }
0x4f: {  	_ =	shalt  }
0x50: {  	_ =	shalt  }
0x51: {  	_ =	shalt  }
0x52: {  	_ =	shalt  }
0x53: {  	_ =	shalt  }
0x54: {  	_ =	shalt  }
0x55: {  	_ =	shalt  }
0x56: {  	_ =	shalt  }
0x57: {  	_ =	shalt  }
0x58: {  	_ =	shalt  }
0x59: {  	_ =	shalt  }
0x5a: {  	_ =	shalt  }
0x5b: {  	_ =	shalt  }
0x5c: {  	_ =	shalt  }
0x5d: {  	_ =	shalt  }
0x5e: {  	_ =	shalt  }
0x5f: {  	_ =	shalt  }
0x60: {  	_ =	shalt  }
0x61: {  	_ =	shalt  }
0x62: {  	_ =	shalt  }
0x63: {  	_ =	shalt  }
0x64: {  	_ =	shalt  }
0x65: {  	_ =	shalt  }
0x66: {  	_ =	shalt  }
0x67: {  	_ =	shalt  }
0x68: {  	_ =	shalt  }
0x69: {  	_ =	shalt  }
0x6a: {  	_ =	shalt  }
0x6b: {  	_ =	shalt  }
0x6c: {  	_ =	shalt  }
0x6d: {  	_ =	shalt  }
0x6e: {  	_ =	shalt  }
0x6f: {  	_ =	shalt  }
0x70: {  	_ =	shalt  }
0x71: {  	_ =	shalt  }
0x72: {  	_ =	shalt  }
0x73: {  	_ =	shalt  }
0x74: {  	_ =	shalt  }
0x75: {  	_ =	shalt  }
0x76: {  	_ =	shalt  }
0x77: {  	_ =	shalt  }
0x78: {  	_ =	shalt  }
0x79: {  	_ =	shalt  }
0x7a: {  	_ =	shalt  }
0x7b: {  	_ =	shalt  }
0x7c: {  	_ =	shalt  }
0x7d: {  	_ =	shalt  }
0x7e: {  	_ =	shalt  }
0x7f: {  	_ =	shalt  }
0x80: {  	_ =	shalt  }
0x81: {  	_ =	shalt  }
0x82: {  	_ =	shalt  }
0x83: {  	_ =	shalt  }
0x84: {  	_ =	shalt  }
0x85: {  	_ =	shalt  }
0x86: {  	_ =	shalt  }
0x87: {  	_ =	shalt  }
.Lfunc_end0:
.L_simem_size_0:
called_computation_lowered:
.L_overlay_start_0:
0x88: {  	s2 =	sld [smem:$0x3FD9]  }
0x89: {  	s3 =	sld [smem:$0x3FFE];
	_ =	sdelay $0x1  }
0x8a: {  	s1 =	srdreg.scid  }
0x8b: {  	s0 =	sand.u32 $0x1, s1  }
0x8c: {  	s17 =	sshll.u32 s0, $0xA;
	s2 =	sadd.s32 s3, s2  }
0x8d: {  	s2 =	sadd.s32 s2, s17  }
0x8e: {  	[smem:$0x3FC2] =	sst s2  }
0x8f: {  	_ = 	snop  }
0x90: {  	s2 =	sld [smem:$0x3FD0];
	(tm) =	ssettm $0x1  }
0x91: {  	s18 =	sld [smem:$0x3FFB];
	_ =	sdelay $0x3  }
0x92: {  	_ =	strace s18  }
0x93: {  	s3 =	sld [smem:$0x3FFC];
	_ =	sdelay $0x3  }
0x94: {  	_ =	strace s3  }
0x95: {  	s3 =	sld [smem:$0x3FFD];
	_ =	sdelay $0x3  }
0x96: {  	_ =	strace s3  }
0x97: {  	_ =	strace $0x8FFFFFFF  }
0x98: {  	s19 =	sld [smem:$0x3FDB];
	_ =	sdelay $0x1  }
0x99: {  	s4 =	simm.s32 $_scs_section_size  }
0x9a: {  	s5 =	simm.s32 $_size__tile_overlayer_lowered;
	s6 =	simm.s32 $_tile_overlayer_lowered  }
0x9b: {  	s22 =	simm.s32 $0x1BFF;
	s21 =	sshll.u32 s6, $0x1;
	s3 =	sadd.s32 s4, s19  }
0x9c: {  	s7 =	simm.s32 $0x0;
	s20 =	sshll.u32 s5, $0x1;
	s5 =	sadd.s32 s21, s3  }
0x9d: {  	[timem:s7], [sflag:s22] =	dma.local [hbm:s5], s20  }
0x9e: {  	_ =	swait.ge [sflag:s22], s20  }
0x9f: {  	s4 =	ssub.s32 $0x0, s20;
	[sflag:s22] =	ssyncset.done $0x0  }
0xa0: {  	[sflag:s22] =	ssyncadd.s32 s4;
	_ =	sdelay $0x1  }
0xa1: {  	s23 =	simm.s32 $0x1B8B  }
0xa2: {  	_ =	swait.ge [sflag:s23], $0x1  }
0xa3: {  	[sflag:s23] =	ssyncset.done $0x0  }
0xa4: {  	s25 =	simm.s32 $0x1B8E;
	s24 =	sld [smem:$0x3FFE];
	[sflag:s23] =	ssyncadd.s32 $0xFFFFFFFF  }
0xa5: {  	s26 =	simm.s32 $execute0_lowered;
	[smem:$0x3FD2] =	sst s25  }
0xa6: {  	s5 =	sshll.u32 s26, $0x1;
	_ =	strace $0x80000046;
	[dreg:$0x1] =	wrdreg $0xFFFFFFFF  }
0xa7: {  	s28 =	simm.s32 $_size_execute0_lowered;
	s3 =	sadd.s32 s3, s5;
	[dreg:$0x0] =	wrdreg $0x0  }
0xa8: {  	s5 =	sshll.u32 s28, $0x1;
	[dreg:$0x2] =	wrdreg s3  }
0xa9: {  	[dreg:$0x3] =	wrdreg s5  }
0xaa: {  	[dreg:$0x4] =	wrdreg $0xC0  }
0xab: {  	_ =	task [dreg:s7], $0x5FFFF  }
0xac: {  	[dreg:$0x1] =	wrdreg $0xFFFFFFFF  }
0xad: {  	[dreg:$0x0] =	wrdreg $0x60  }
0xae: {  	[dreg:$0x2] =	wrdreg s24  }
0xaf: {  	[dreg:$0x3] =	wrdreg s2  }
0xb0: {  	[dreg:$0x4] =	wrdreg $0x14800  }
0xb1: {  	[dreg:$0x5] =	wrdreg $0x9  }
0xb2: {  	_ =	task.clear_ibuf [dreg:s7], $0x6FFFF;
	_ =	strace $0x90000046  }
0xb3: {  	s29 =	simm.s32 $0x9;
	_ =	strace $0x80000048  }
0xb4: {  	_ =	swait.ge [sflag:s29], $0x1  }
0xb5: {  	[sflag:s29] =	ssyncadd.s32 $0xFFFFFFFF  }
0xb6: {  	_ =	strace $0x90000048  }
0xb7: {  	_ =	sfence  }
0xb8: {  	s30 =	sld [smem:$0x0];
	_ =	sdelay $0x2  }
0xb9: {  	s31 =	sshll.u32 s1, $0xD;
	s1 =	sshrl.u32 s1, $0x2  }
0xba: {  	s3 =	sand.u32 $0x4000, s31;
	s1 =	sadd.s32 s1, s30  }
0xbb: {  	s0 =	sor.u32 s3, s0;
	s1 =	sshll.u32 s1, $0x11  }
0xbc: {  	s0 =	sor.u32 s1, s0  }
0xbd: {  	s0 =	sadd.s32 $0x8F2B, s0  }
0xbe: {  	[sflag:s0] =	ssyncadd.remote.s32 $0x1  }
0xbf: {  	_ =	sfence.sel $0xFFFF  }
0xc0: {  	[dreg:$0x0] =	wrdreg $0xFFFFFFFF;
	(pc) =	sbr.abs _section_cstart, $3  }
0xc1: {  	[dreg:$0x1] =	wrdreg $0xFFFFFFFF  }
0xc2: {  	_ =	task.clear_ibuf [dreg:s7], $0x2FFFF;
	_ =	strace $0x9FFFFFFF  }
0xc3: {  	(tm) =	ssettm $0x7FFFFFFF  }
tec
execute0_lowered:
.L_overlay_start_1:
0x0: {  	(tag) =	ssettag $0x1  }
0x1: {  	s0 =	rddreg [dreg:$0x0]  }
0x2: {  	s3 =	rddreg [dreg:$0x1]  }
0x3: {  	s1 =	rddreg [dreg:$0x2];
	s2 =	simm.s32 $0x0;
	s5 =	srdreg.scid  }
0x4: {  	s14 =	stileid.u32;
	s18 =	simm.s32 $0xC00;
	s19 =	simm.s32 $0xC80  }
0x5: {  	s20 =	simm.s32 $0xD00;
	s28 =	simm.s32 $0x1080;
	s29 =	simm.s32 $0x1100  }
0x6: {  	s30 =	simm.s32 $0x1180;
	s31 =	simm.s32 $0x1200;
	s15 =	simm.s32 $0x1  }
0x7: {  	s16 =	simm.s32 $0x0;
	[smem:$0x7FF] =	sst s2;
	s7 =	sadd.s32 $0x2600, s0  }
0x8: {  	s8 =	sadd.s32 $0x16200, s0;
	s4 =	sadd.s32 $0x16A00, s0;
	s6 =	sand.u32 $0x1, s5  }
0x9: {  	s21 =	sshll.u32 s14, $0x1;
	s10 =	smul.u32 $0x280, s14;
	s5 =	sadd.s32 $0x16C00, s0  }
0xa: {  	s24 =	sshll.u32 s14, $0x6;
	s14 =	simm.s32 $0x80;
	_ =	strace $0x80000047  }
0xb: {  	s9 =	ssub.s32 $0x2, s6;
	s11 =	sor.u32 s6, s21;
	s23 =	smul.u32 $0x2800, s6  }
0xc: {  	s6 =	sor.u32 $0x1C02, s24;
	s21 =	simm.s32 $0xD80;
	s24 =	simm.s32 $0xF00  }
0xd: {  	s22 =	sshrl.u32 s9, $0x1;
	s12 =	smul.u32 $0x2800, s11;
	s13 =	sadd.s32 s10, s1  }
0xe: {  	s25 =	smul.u32 $0x500, s11;
	p0 =	seq.s32 s11, $0x1F;
	s0 =	ssub.s32 s9, s22  }
0xf: {  	s9 =	sadd.s32 s10, s23;
	s11 =	sshrl.u32 s13, $0x3;
	s13 =	simm.s32 $0x1400  }
0x10: {  	s22 =	simm.s32 $0xE00;
	s23 =	simm.s32 $0xE80;
	s12 =	sshrl.u32 s12, $0x3  }
.Ltmp0:
0x11: {  	s9 =	sshrl.u32 s9, $0x3;
	s10 =	smax.u32 s0, $0x1;
	(pc) =	sbr.rel .LBB2_1-.Ltmp0, $4  }
0x12: {  	s0 =	simm.s32 $0x1280;
	s12 =	sadd.s32 s7, s12;
	s7 =	sadd.s32 s7, s25  }
0x13: {  	s9 =	sadd.s32 s3, s9;
	s25 =	simm.s32 $0xF80;
	s3 =	simm.s32 $0x1300  }
0x14: {  	s26 =	sadd.s32 $0x280, s12;
	s12 =	simm.s32 $0x2;
	s7 =	smov.u32 @p0 s8  }
0x15: {  	s8 =	simm.s32 $0x1380;
	[dreg:$0x4] =	wrdreg s26;
	s26 =	simm.s32 $0x1000  }
.LBB2_6:
0x16: {  	[sflag:s15] =	ssyncadd.s32 $0xFFFFFF80  }
.LBB2_7:
0x17: {  	s16 =	sadd.s32 $0x1, s16  }
0x18: {  	p1 =	sne.s32 s16, s10  }
.Ltmp1:
0x19: {  	[bflag:$0x0] =	sbarrier.arrive $0xFFFF;
	(pc) =	sbr.rel @!p1 .LBB2_8-.Ltmp1, $4  }
0x1a: {  	[hbm:s9], [sflag:s6] =	dma.local [spmem:s11], $0x50  }
0x1b: {  	_ =	swait.ge [sflag:s12], $0x50  }
0x1c: {  	[sflag:s12] =	ssyncset.done $0x0  }
0x1d: {  	[sflag:s12] =	ssyncadd.s32 $0xFFFFFFB0  }
.LBB2_1:
0x1e: {  	[spmem:s11], [sflag:s6] =	dma.local [hbm:s5], $0x50  }
0x1f: {  	_ =	swait.ge [sflag:s12], $0x50  }
0x20: {  	[sflag:s12] =	ssyncset.done $0x0  }
0x21: {  	[sflag:s12] =	ssyncadd.s32 $0xFFFFFFB0  }
0x22: {  	[tilespmem:s13], [sflag:$0x2] =	stream.linear.gather [hbm4b:s4+s2], $0x80, $0x38;
	[tilespmem:$0x1700] =	vst v63  }
0x23: {  	_ =	swait.ge [sflag:s12], $0x80  }
0x24: {  	[sflag:s12] =	ssyncset.done $0x0  }
0x25: {  	[sflag:s12] =	ssyncadd.s32 $0xFFFFFF80  }
0x26: {  	[bflag:$0x0] =	sbarrier.arrive $0xFFFF  }
0x27: {  	[tilespmem:s2], [sflag:$0x2] =	stream.linear.gather [hbm4b:s7+s2], $0x1400, $0x38;
	[tilespmem:$0x1700] =	vst v63  }
0x28: {  	_ =	swait.ge [sflag:s12], $0x1400  }
0x29: {  	[sflag:s12] =	ssyncset.done $0x0  }
0x2a: {  	[sflag:s12] =	ssyncadd.s32 $0xFFFFEC00  }
0x2b: {  	[spmem:s1] =	stream.indirect.scatter.add.f32 [tilespmem:s13], [sflag:$0x1], $0x1, s2, s14, $0xb8;
	[tilespmem:$0x1700] =	vst v63  }
0x2c: {  	_ = 	snop  }
0x2d: {  	[spmem:s1] =	stream.indirect.scatter.add.f32 [tilespmem:s13], [sflag:$0x1], $0x1, s14, s14, $0xb8;
	[tilespmem:$0x1700] =	vst v63  }
0x2e: {  	s17 =	simm.s32 $0x100  }
0x2f: {  	[spmem:s1] =	stream.indirect.scatter.add.f32 [tilespmem:s13], [sflag:$0x1], $0x1, s17, s14, $0xb8;
	[tilespmem:$0x1700] =	vst v63  }
0x30: {  	s17 =	simm.s32 $0x180  }
0x31: {  	[spmem:s1] =	stream.indirect.scatter.add.f32 [tilespmem:s13], [sflag:$0x1], $0x1, s17, s14, $0xb8;
	[tilespmem:$0x1700] =	vst v63  }
0x32: {  	s17 =	simm.s32 $0x200  }
0x33: {  	[spmem:s1] =	stream.indirect.scatter.add.f32 [tilespmem:s13], [sflag:$0x1], $0x1, s17, s14, $0xb8;
	[tilespmem:$0x1700] =	vst v63  }
0x34: {  	s17 =	simm.s32 $0x280  }
0x35: {  	[spmem:s1] =	stream.indirect.scatter.add.f32 [tilespmem:s13], [sflag:$0x1], $0x1, s17, s14, $0xb8;
	[tilespmem:$0x1700] =	vst v63  }
0x36: {  	s17 =	simm.s32 $0x300  }
0x37: {  	[spmem:s1] =	stream.indirect.scatter.add.f32 [tilespmem:s13], [sflag:$0x1], $0x1, s17, s14, $0xb8;
	[tilespmem:$0x1700] =	vst v63  }
0x38: {  	s17 =	simm.s32 $0x380  }
0x39: {  	[spmem:s1] =	stream.indirect.scatter.add.f32 [tilespmem:s13], [sflag:$0x1], $0x1, s17, s14, $0xb8;
	[tilespmem:$0x1700] =	vst v63  }
0x3a: {  	s17 =	simm.s32 $0x400  }
0x3b: {  	[spmem:s1] =	stream.indirect.scatter.add.f32 [tilespmem:s13], [sflag:$0x1], $0x1, s17, s14, $0xb8;
	[tilespmem:$0x1700] =	vst v63  }
0x3c: {  	s17 =	simm.s32 $0x480  }
0x3d: {  	[spmem:s1] =	stream.indirect.scatter.add.f32 [tilespmem:s13], [sflag:$0x1], $0x1, s17, s14, $0xb8;
	[tilespmem:$0x1700] =	vst v63  }
0x3e: {  	s17 =	simm.s32 $0x500  }
0x3f: {  	[spmem:s1] =	stream.indirect.scatter.add.f32 [tilespmem:s13], [sflag:$0x1], $0x1, s17, s14, $0xb8;
	[tilespmem:$0x1700] =	vst v63  }
0x40: {  	s17 =	simm.s32 $0x580  }
0x41: {  	[spmem:s1] =	stream.indirect.scatter.add.f32 [tilespmem:s13], [sflag:$0x1], $0x1, s17, s14, $0xb8;
	[tilespmem:$0x1700] =	vst v63  }
0x42: {  	s17 =	simm.s32 $0x600  }
0x43: {  	[spmem:s1] =	stream.indirect.scatter.add.f32 [tilespmem:s13], [sflag:$0x1], $0x1, s17, s14, $0xb8;
	[tilespmem:$0x1700] =	vst v63  }
0x44: {  	s17 =	simm.s32 $0x680  }
0x45: {  	[spmem:s1] =	stream.indirect.scatter.add.f32 [tilespmem:s13], [sflag:$0x1], $0x1, s17, s14, $0xb8;
	[tilespmem:$0x1700] =	vst v63  }
0x46: {  	s17 =	simm.s32 $0x700  }
0x47: {  	[spmem:s1] =	stream.indirect.scatter.add.f32 [tilespmem:s13], [sflag:$0x1], $0x1, s17, s14, $0xb8;
	[tilespmem:$0x1700] =	vst v63  }
0x48: {  	s17 =	simm.s32 $0x780  }
0x49: {  	[spmem:s1] =	stream.indirect.scatter.add.f32 [tilespmem:s13], [sflag:$0x1], $0x1, s17, s14, $0xb8;
	[tilespmem:$0x1700] =	vst v63  }
0x4a: {  	s17 =	simm.s32 $0x800  }
0x4b: {  	[spmem:s1] =	stream.indirect.scatter.add.f32 [tilespmem:s13], [sflag:$0x1], $0x1, s17, s14, $0xb8;
	[tilespmem:$0x1700] =	vst v63  }
0x4c: {  	s17 =	simm.s32 $0x880  }
0x4d: {  	[spmem:s1] =	stream.indirect.scatter.add.f32 [tilespmem:s13], [sflag:$0x1], $0x1, s17, s14, $0xb8;
	[tilespmem:$0x1700] =	vst v63  }
0x4e: {  	s17 =	simm.s32 $0x900  }
0x4f: {  	[spmem:s1] =	stream.indirect.scatter.add.f32 [tilespmem:s13], [sflag:$0x1], $0x1, s17, s14, $0xb8;
	[tilespmem:$0x1700] =	vst v63  }
0x50: {  	s17 =	simm.s32 $0x980  }
0x51: {  	[spmem:s1] =	stream.indirect.scatter.add.f32 [tilespmem:s13], [sflag:$0x1], $0x1, s17, s14, $0xb8;
	[tilespmem:$0x1700] =	vst v63  }
0x52: {  	s17 =	simm.s32 $0xA00  }
0x53: {  	[spmem:s1] =	stream.indirect.scatter.add.f32 [tilespmem:s13], [sflag:$0x1], $0x1, s17, s14, $0xb8;
	[tilespmem:$0x1700] =	vst v63  }
0x54: {  	s17 =	simm.s32 $0xA80  }
0x55: {  	[spmem:s1] =	stream.indirect.scatter.add.f32 [tilespmem:s13], [sflag:$0x1], $0x1, s17, s14, $0xb8;
	[tilespmem:$0x1700] =	vst v63  }
0x56: {  	s17 =	simm.s32 $0xB00  }
0x57: {  	[spmem:s1] =	stream.indirect.scatter.add.f32 [tilespmem:s13], [sflag:$0x1], $0x1, s17, s14, $0xb8;
	[tilespmem:$0x1700] =	vst v63  }
0x58: {  	s17 =	simm.s32 $0xB80  }
0x59: {  	[spmem:s1] =	stream.indirect.scatter.add.f32 [tilespmem:s13], [sflag:$0x1], $0x1, s17, s14, $0xb8;
	[tilespmem:$0x1700] =	vst v63  }
0x5a: {  	_ = 	snop  }
0x5b: {  	[spmem:s1] =	stream.indirect.scatter.add.f32 [tilespmem:s13], [sflag:$0x1], $0x1, s18, s14, $0xb8;
	[tilespmem:$0x1700] =	vst v63  }
0x5c: {  	_ = 	snop  }
0x5d: {  	[spmem:s1] =	stream.indirect.scatter.add.f32 [tilespmem:s13], [sflag:$0x1], $0x1, s19, s14, $0xb8;
	[tilespmem:$0x1700] =	vst v63  }
0x5e: {  	_ = 	snop  }
0x5f: {  	[spmem:s1] =	stream.indirect.scatter.add.f32 [tilespmem:s13], [sflag:$0x1], $0x1, s20, s14, $0xb8;
	[tilespmem:$0x1700] =	vst v63  }
0x60: {  	_ = 	snop  }
0x61: {  	[spmem:s1] =	stream.indirect.scatter.add.f32 [tilespmem:s13], [sflag:$0x1], $0x1, s21, s14, $0xb8;
	[tilespmem:$0x1700] =	vst v63  }
0x62: {  	_ = 	snop  }
0x63: {  	[spmem:s1] =	stream.indirect.scatter.add.f32 [tilespmem:s13], [sflag:$0x1], $0x1, s22, s14, $0xb8;
	[tilespmem:$0x1700] =	vst v63  }
0x64: {  	_ = 	snop  }
0x65: {  	[spmem:s1] =	stream.indirect.scatter.add.f32 [tilespmem:s13], [sflag:$0x1], $0x1, s23, s14, $0xb8;
	[tilespmem:$0x1700] =	vst v63  }
0x66: {  	_ = 	snop  }
0x67: {  	[spmem:s1] =	stream.indirect.scatter.add.f32 [tilespmem:s13], [sflag:$0x1], $0x1, s24, s14, $0xb8;
	[tilespmem:$0x1700] =	vst v63  }
0x68: {  	_ = 	snop  }
0x69: {  	[spmem:s1] =	stream.indirect.scatter.add.f32 [tilespmem:s13], [sflag:$0x1], $0x1, s25, s14, $0xb8;
	[tilespmem:$0x1700] =	vst v63  }
0x6a: {  	_ = 	snop  }
0x6b: {  	[spmem:s1] =	stream.indirect.scatter.add.f32 [tilespmem:s13], [sflag:$0x1], $0x1, s26, s14, $0xb8;
	[tilespmem:$0x1700] =	vst v63  }
0x6c: {  	_ = 	snop  }
0x6d: {  	[spmem:s1] =	stream.indirect.scatter.add.f32 [tilespmem:s13], [sflag:$0x1], $0x1, s28, s14, $0xb8;
	[tilespmem:$0x1700] =	vst v63  }
0x6e: {  	_ = 	snop  }
0x6f: {  	[spmem:s1] =	stream.indirect.scatter.add.f32 [tilespmem:s13], [sflag:$0x1], $0x1, s29, s14, $0xb8;
	[tilespmem:$0x1700] =	vst v63  }
0x70: {  	_ = 	snop  }
0x71: {  	[spmem:s1] =	stream.indirect.scatter.add.f32 [tilespmem:s13], [sflag:$0x1], $0x1, s30, s14, $0xb8;
	[tilespmem:$0x1700] =	vst v63  }
0x72: {  	_ = 	snop  }
0x73: {  	[spmem:s1] =	stream.indirect.scatter.add.f32 [tilespmem:s13], [sflag:$0x1], $0x1, s31, s14, $0xb8;
	[tilespmem:$0x1700] =	vst v63  }
0x74: {  	_ = 	snop  }
0x75: {  	[spmem:s1] =	stream.indirect.scatter.add.f32 [tilespmem:s13], [sflag:$0x1], $0x1, s0, s14, $0xb8;
	[tilespmem:$0x1700] =	vst v63  }
0x76: {  	_ = 	snop  }
0x77: {  	[spmem:s1] =	stream.indirect.scatter.add.f32 [tilespmem:s13], [sflag:$0x1], $0x1, s3, s14, $0xb8;
	[tilespmem:$0x1700] =	vst v63  }
0x78: {  	_ = 	snop  }
0x79: {  	[spmem:s1] =	stream.indirect.scatter.add.f32 [tilespmem:s13], [sflag:$0x1], $0x1, s8, s14, $0xb8;
	[tilespmem:$0x1700] =	vst v63  }
0x7a: {  	_ =	swait.ge [sflag:s15], $0x80  }
0x7b: {  	s17 =	simm.s32 $0x27;
	[sflag:s15] =	ssyncset.done $0x0  }
.LBB2_2:
0x7c: {  	p1 =	sne.s32 s17, $0x1;
	s17 =	sadd.s32 $0xFFFFFFFF, s17;
	[sflag:s15] =	ssyncadd.s32 $0xFFFFFF80  }
.Ltmp2:
0x7d: {  	(pc) =	sbr.rel @p1 .LBB2_2-.Ltmp2, $3  }
0x7e: {  	_ =	sdelay $0x1  }
0x7f: {  	_ =	swait.ge [sflag:s15], $0x80  }
0x80: {  	[sflag:s15] =	ssyncset.done $0x0  }
.Ltmp3:
0x81: {  	(pc) =	sbr.rel @p0 .LBB2_7-.Ltmp3, $2  }
0x82: {  	_ =	sdelay $0x2  }
0x83: {  	[sflag:s15] =	ssyncadd.s32 $0xFFFFFF80  }
0x84: {  	s17 =	rddreg [dreg:$0x4]  }
0x85: {  	[tilespmem:s2], [sflag:$0x2] =	stream.linear.gather [hbm4b:s17+s2], $0x1400, $0x38;
	[tilespmem:$0x1700] =	vst v63  }
0x86: {  	_ =	swait.ge [sflag:s12], $0x1400  }
0x87: {  	[sflag:s12] =	ssyncset.done $0x0  }
0x88: {  	[sflag:s12] =	ssyncadd.s32 $0xFFFFEC00  }
0x89: {  	[spmem:s1] =	stream.indirect.scatter.add.f32 [tilespmem:s13], [sflag:$0x1], $0x1, s2, s14, $0xb8;
	[tilespmem:$0x1700] =	vst v63  }
0x8a: {  	_ = 	snop  }
0x8b: {  	[spmem:s1] =	stream.indirect.scatter.add.f32 [tilespmem:s13], [sflag:$0x1], $0x1, s14, s14, $0xb8;
	[tilespmem:$0x1700] =	vst v63  }
0x8c: {  	s17 =	simm.s32 $0x100  }
0x8d: {  	[spmem:s1] =	stream.indirect.scatter.add.f32 [tilespmem:s13], [sflag:$0x1], $0x1, s17, s14, $0xb8;
	[tilespmem:$0x1700] =	vst v63  }
0x8e: {  	s17 =	simm.s32 $0x180  }
0x8f: {  	[spmem:s1] =	stream.indirect.scatter.add.f32 [tilespmem:s13], [sflag:$0x1], $0x1, s17, s14, $0xb8;
	[tilespmem:$0x1700] =	vst v63  }
0x90: {  	s17 =	simm.s32 $0x200  }
0x91: {  	[spmem:s1] =	stream.indirect.scatter.add.f32 [tilespmem:s13], [sflag:$0x1], $0x1, s17, s14, $0xb8;
	[tilespmem:$0x1700] =	vst v63  }
0x92: {  	s17 =	simm.s32 $0x280  }
0x93: {  	[spmem:s1] =	stream.indirect.scatter.add.f32 [tilespmem:s13], [sflag:$0x1], $0x1, s17, s14, $0xb8;
	[tilespmem:$0x1700] =	vst v63  }
0x94: {  	s17 =	simm.s32 $0x300  }
0x95: {  	[spmem:s1] =	stream.indirect.scatter.add.f32 [tilespmem:s13], [sflag:$0x1], $0x1, s17, s14, $0xb8;
	[tilespmem:$0x1700] =	vst v63  }
0x96: {  	s17 =	simm.s32 $0x380  }
0x97: {  	[spmem:s1] =	stream.indirect.scatter.add.f32 [tilespmem:s13], [sflag:$0x1], $0x1, s17, s14, $0xb8;
	[tilespmem:$0x1700] =	vst v63  }
0x98: {  	s17 =	simm.s32 $0x400  }
0x99: {  	[spmem:s1] =	stream.indirect.scatter.add.f32 [tilespmem:s13], [sflag:$0x1], $0x1, s17, s14, $0xb8;
	[tilespmem:$0x1700] =	vst v63  }
0x9a: {  	s17 =	simm.s32 $0x480  }
0x9b: {  	[spmem:s1] =	stream.indirect.scatter.add.f32 [tilespmem:s13], [sflag:$0x1], $0x1, s17, s14, $0xb8;
	[tilespmem:$0x1700] =	vst v63  }
0x9c: {  	s17 =	simm.s32 $0x500  }
0x9d: {  	[spmem:s1] =	stream.indirect.scatter.add.f32 [tilespmem:s13], [sflag:$0x1], $0x1, s17, s14, $0xb8;
	[tilespmem:$0x1700] =	vst v63  }
0x9e: {  	s17 =	simm.s32 $0x580  }
0x9f: {  	[spmem:s1] =	stream.indirect.scatter.add.f32 [tilespmem:s13], [sflag:$0x1], $0x1, s17, s14, $0xb8;
	[tilespmem:$0x1700] =	vst v63  }
0xa0: {  	s17 =	simm.s32 $0x600  }
0xa1: {  	[spmem:s1] =	stream.indirect.scatter.add.f32 [tilespmem:s13], [sflag:$0x1], $0x1, s17, s14, $0xb8;
	[tilespmem:$0x1700] =	vst v63  }
0xa2: {  	s17 =	simm.s32 $0x680  }
0xa3: {  	[spmem:s1] =	stream.indirect.scatter.add.f32 [tilespmem:s13], [sflag:$0x1], $0x1, s17, s14, $0xb8;
	[tilespmem:$0x1700] =	vst v63  }
0xa4: {  	s17 =	simm.s32 $0x700  }
0xa5: {  	[spmem:s1] =	stream.indirect.scatter.add.f32 [tilespmem:s13], [sflag:$0x1], $0x1, s17, s14, $0xb8;
	[tilespmem:$0x1700] =	vst v63  }
0xa6: {  	s17 =	simm.s32 $0x780  }
0xa7: {  	[spmem:s1] =	stream.indirect.scatter.add.f32 [tilespmem:s13], [sflag:$0x1], $0x1, s17, s14, $0xb8;
	[tilespmem:$0x1700] =	vst v63  }
0xa8: {  	s17 =	simm.s32 $0x800  }
0xa9: {  	[spmem:s1] =	stream.indirect.scatter.add.f32 [tilespmem:s13], [sflag:$0x1], $0x1, s17, s14, $0xb8;
	[tilespmem:$0x1700] =	vst v63  }
0xaa: {  	s17 =	simm.s32 $0x880  }
0xab: {  	[spmem:s1] =	stream.indirect.scatter.add.f32 [tilespmem:s13], [sflag:$0x1], $0x1, s17, s14, $0xb8;
	[tilespmem:$0x1700] =	vst v63  }
0xac: {  	s17 =	simm.s32 $0x900  }
0xad: {  	[spmem:s1] =	stream.indirect.scatter.add.f32 [tilespmem:s13], [sflag:$0x1], $0x1, s17, s14, $0xb8;
	[tilespmem:$0x1700] =	vst v63  }
0xae: {  	s17 =	simm.s32 $0x980  }
0xaf: {  	[spmem:s1] =	stream.indirect.scatter.add.f32 [tilespmem:s13], [sflag:$0x1], $0x1, s17, s14, $0xb8;
	[tilespmem:$0x1700] =	vst v63  }
0xb0: {  	s17 =	simm.s32 $0xA00  }
0xb1: {  	[spmem:s1] =	stream.indirect.scatter.add.f32 [tilespmem:s13], [sflag:$0x1], $0x1, s17, s14, $0xb8;
	[tilespmem:$0x1700] =	vst v63  }
0xb2: {  	s17 =	simm.s32 $0xA80  }
0xb3: {  	[spmem:s1] =	stream.indirect.scatter.add.f32 [tilespmem:s13], [sflag:$0x1], $0x1, s17, s14, $0xb8;
	[tilespmem:$0x1700] =	vst v63  }
0xb4: {  	s17 =	simm.s32 $0xB00  }
0xb5: {  	[spmem:s1] =	stream.indirect.scatter.add.f32 [tilespmem:s13], [sflag:$0x1], $0x1, s17, s14, $0xb8;
	[tilespmem:$0x1700] =	vst v63  }
0xb6: {  	s17 =	simm.s32 $0xB80  }
0xb7: {  	[spmem:s1] =	stream.indirect.scatter.add.f32 [tilespmem:s13], [sflag:$0x1], $0x1, s17, s14, $0xb8;
	[tilespmem:$0x1700] =	vst v63  }
0xb8: {  	_ = 	snop  }
0xb9: {  	[spmem:s1] =	stream.indirect.scatter.add.f32 [tilespmem:s13], [sflag:$0x1], $0x1, s18, s14, $0xb8;
	[tilespmem:$0x1700] =	vst v63  }
0xba: {  	_ = 	snop  }
0xbb: {  	[spmem:s1] =	stream.indirect.scatter.add.f32 [tilespmem:s13], [sflag:$0x1], $0x1, s19, s14, $0xb8;
	[tilespmem:$0x1700] =	vst v63  }
0xbc: {  	_ = 	snop  }
0xbd: {  	[spmem:s1] =	stream.indirect.scatter.add.f32 [tilespmem:s13], [sflag:$0x1], $0x1, s20, s14, $0xb8;
	[tilespmem:$0x1700] =	vst v63  }
0xbe: {  	_ = 	snop  }
0xbf: {  	[spmem:s1] =	stream.indirect.scatter.add.f32 [tilespmem:s13], [sflag:$0x1], $0x1, s21, s14, $0xb8;
	[tilespmem:$0x1700] =	vst v63  }
0xc0: {  	_ = 	snop  }
0xc1: {  	[spmem:s1] =	stream.indirect.scatter.add.f32 [tilespmem:s13], [sflag:$0x1], $0x1, s22, s14, $0xb8;
	[tilespmem:$0x1700] =	vst v63  }
0xc2: {  	_ = 	snop  }
0xc3: {  	[spmem:s1] =	stream.indirect.scatter.add.f32 [tilespmem:s13], [sflag:$0x1], $0x1, s23, s14, $0xb8;
	[tilespmem:$0x1700] =	vst v63  }
0xc4: {  	_ = 	snop  }
0xc5: {  	[spmem:s1] =	stream.indirect.scatter.add.f32 [tilespmem:s13], [sflag:$0x1], $0x1, s24, s14, $0xb8;
	[tilespmem:$0x1700] =	vst v63  }
0xc6: {  	_ = 	snop  }
0xc7: {  	[spmem:s1] =	stream.indirect.scatter.add.f32 [tilespmem:s13], [sflag:$0x1], $0x1, s25, s14, $0xb8;
	[tilespmem:$0x1700] =	vst v63  }
0xc8: {  	_ = 	snop  }
0xc9: {  	[spmem:s1] =	stream.indirect.scatter.add.f32 [tilespmem:s13], [sflag:$0x1], $0x1, s26, s14, $0xb8;
	[tilespmem:$0x1700] =	vst v63  }
0xca: {  	_ = 	snop  }
0xcb: {  	[spmem:s1] =	stream.indirect.scatter.add.f32 [tilespmem:s13], [sflag:$0x1], $0x1, s28, s14, $0xb8;
	[tilespmem:$0x1700] =	vst v63  }
0xcc: {  	_ = 	snop  }
0xcd: {  	[spmem:s1] =	stream.indirect.scatter.add.f32 [tilespmem:s13], [sflag:$0x1], $0x1, s29, s14, $0xb8;
	[tilespmem:$0x1700] =	vst v63  }
0xce: {  	_ = 	snop  }
0xcf: {  	[spmem:s1] =	stream.indirect.scatter.add.f32 [tilespmem:s13], [sflag:$0x1], $0x1, s30, s14, $0xb8;
	[tilespmem:$0x1700] =	vst v63  }
0xd0: {  	_ = 	snop  }
0xd1: {  	[spmem:s1] =	stream.indirect.scatter.add.f32 [tilespmem:s13], [sflag:$0x1], $0x1, s31, s14, $0xb8;
	[tilespmem:$0x1700] =	vst v63  }
0xd2: {  	_ = 	snop  }
0xd3: {  	[spmem:s1] =	stream.indirect.scatter.add.f32 [tilespmem:s13], [sflag:$0x1], $0x1, s0, s14, $0xb8;
	[tilespmem:$0x1700] =	vst v63  }
0xd4: {  	_ = 	snop  }
0xd5: {  	[spmem:s1] =	stream.indirect.scatter.add.f32 [tilespmem:s13], [sflag:$0x1], $0x1, s3, s14, $0xb8;
	[tilespmem:$0x1700] =	vst v63  }
0xd6: {  	_ = 	snop  }
0xd7: {  	[spmem:s1] =	stream.indirect.scatter.add.f32 [tilespmem:s13], [sflag:$0x1], $0x1, s8, s14, $0xb8;
	[tilespmem:$0x1700] =	vst v63  }
0xd8: {  	_ =	swait.ge [sflag:s15], $0x80  }
0xd9: {  	s17 =	simm.s32 $0x27;
	[sflag:s15] =	ssyncset.done $0x0  }
.LBB2_5:
0xda: {  	p1 =	sne.s32 s17, $0x1;
	s17 =	sadd.s32 $0xFFFFFFFF, s17;
	[sflag:s15] =	ssyncadd.s32 $0xFFFFFF80  }
.Ltmp4:
0xdb: {  	(pc) =	sbr.rel @p1 .LBB2_5-.Ltmp4, $3  }
0xdc: {  	_ =	sdelay $0x1  }
0xdd: {  	_ =	swait.ge [sflag:s15], $0x80  }
0xde: {  	[sflag:s15] =	ssyncset.done $0x0  }
.Ltmp5:
0xdf: {  	_ = 	snop;
	(pc) =	sbr.rel .LBB2_6-.Ltmp5, $1  }
0xe0: {  	_ =	sdelay $0x3  }
.LBB2_8:
0xe1: {  	_ =	sfence.sel $0x180000  }
0xe2: {  	[bflag:$0x0] =	sbarrier.arrive $0xFFFF  }
0xe3: {  	_ =	strace $0x90000047  }
0xe4: {  	s0 =	stileid.u32;
	[bflag:$0x2] =	sbarrier.arrive $0xFFFF  }
0xe5: {  	p0 =	sne.s32 s0, $0x0;
	s0 =	rddreg [dreg:$0x3]  }
0xe6: {  	s0 =	sadd.s32 @!p0 $0x100000, s0  }
0xe7: {  	[sflag:s0] =	ssyncadd.tile.s32 @!p0 $0x1;
	_ =	shalt  }
.Lfunc_end2:
_tile_overlayer_lowered:
.L_overlay_start_2:
0xe8: {  	(tag) =	ssettag $0x2  }
0xe9: {  	s0 =	rddreg [dreg:$0x0];
	s2 =	stileid.u32  }
0xea: {  	s1 =	rddreg [dreg:$0x1];
	p0 =	sne.s32 s2, $0x0  }
0xeb: {  	s3 =	rddreg [dreg:$0x2];
	[bflag:$0x3] =	sbarrier.arrive $0xFFFF;
	s2 =	simm.s32 @!p0 $0x1C02  }
0xec: {  	[timem:s3], [sflag:s2] =	dma.local @!p0 [hbm:s0], s1  }
0xed: {  	s0 =	simm.s32 @!p0 $0x2  }
0xee: {  	_ =	swait.ge @!p0 [sflag:s0], s1  }
0xef: {  	s1 =	ssub.s32 @!p0 $0x0, s1;
	[sflag:s0] =	ssyncset.done @!p0 $0x0  }
0xf0: {  	[sflag:s0] =	ssyncadd.s32 @!p0 s1  }
0xf1: {  	[bflag:$0x3] =	sbarrier.arrive $0xFFFF  }
0xf2: {  	_ =	shalt  }

</sc_bundles>
